<compile_context>
chip_gen: v7x
topology: tpu7x:2x2x1
jax: 0.10.2.dev20260603
libtpu: 0.0.44.dev20260713+nightly
codegen_flags: <defaults>
</compile_context>

<pallas_src>
import functools

import jax
import jax.numpy as jnp
from jax import lax
from jax.experimental import pallas as pl
from jax.experimental.pallas import tpu as pltpu
from jax.experimental.pallas import tpu_sc as plsc

T_ROWS = 8192
D_COLS = 1024
NUM_CORES = 2
NUM_SUBCORES = 16
NUM_WORKERS = NUM_CORES * NUM_SUBCORES
ROWS_PER_WORKER = T_ROWS // NUM_WORKERS
CHUNK = 32
NCHUNK = ROWS_PER_WORKER // CHUNK
NBUF = 3


def _gather_body(idx_hbm, table_hbm, out_hbm, idx_v, buf, in_sem, out_sem):
    wid = lax.axis_index("s") * NUM_CORES + lax.axis_index("c")
    base = wid * ROWS_PER_WORKER

    pltpu.sync_copy(idx_hbm.at[pl.ds(base, ROWS_PER_WORKER)], idx_v)

    def gather(k, b):
        return pltpu.make_async_copy(
            table_hbm.at[idx_v.at[pl.ds(k * CHUNK, CHUNK)]], buf.at[b],
            in_sem.at[b])

    def put(k, b):
        return pltpu.make_async_copy(
            buf.at[b],
            out_hbm.at[pl.ds(base + k * CHUNK, CHUNK), 0],
            out_sem.at[b])

    gather(0, 0).start()
    gather(1, 1).start()
    for k in range(NCHUNK):
        b = k % NBUF
        gather(k, b).wait()
        nk = k + NBUF - 1
        if nk < NCHUNK:
            nb = nk % NBUF
            if k > 0:
                put(k - 1, nb).wait()
            gather(nk, nb).start()
        put(k, b).start()
    for k in range(max(0, NCHUNK - NBUF), NCHUNK):
        put(k, k % NBUF).wait()


@jax.jit
def _sc_gather(idx, table):
    mesh = plsc.VectorSubcoreMesh(core_axis_name="c", subcore_axis_name="s")
    return pl.kernel(
        _gather_body,
        mesh=mesh,
        out_type=jax.ShapeDtypeStruct((T_ROWS, 1, D_COLS), jnp.float32),
        scratch_types=[
            pltpu.VMEM((ROWS_PER_WORKER,), jnp.int32),
            pltpu.VMEM((NBUF, CHUNK, D_COLS), jnp.float32),
            pltpu.SemaphoreType.DMA((NBUF,)),
            pltpu.SemaphoreType.DMA((NBUF,)),
        ],
    )(idx, table)


def kernel(TDist, table):
    return _sc_gather(jnp.asarray(TDist, jnp.int32).reshape(T_ROWS), table)

# --- scband reference (transcript-rebuilt; emitter-appended) ---
"""Pipeline reference for scband-trpe-56418690400824 (READ-ONLY COPY).

The authoritative reference and input builder live on the scoring server;
editing this copy changes nothing except your own understanding.
"""

import jax, jax.numpy as jnp
import numpy as np

T_SIZE = 8192
D = 1024

def setup_inputs(seed: int = 0) -> dict:
    key = jax.random.key(seed)
    # TDist buffer: range(t_size) expanded to [t_size, 1], matching the torch module
    TDist = jnp.arange(T_SIZE, dtype=jnp.int64).reshape(T_SIZE, 1)
    # learned embedding table [t_size, d] (nn.Embedding weight)
    table = jax.random.normal(key, (T_SIZE, D), dtype=jnp.float32)
    return {"TDist": TDist, "table": table}

def reference(TDist, table):
    # nn.Embedding lookup: out[i, j, :] = table[TDist[i, j], :] -> [t_size, 1, d]
    return jnp.take(table, TDist, axis=0)

if __name__ == "__main__":
    import jax
    _d = setup_inputs()
    print(jax.jit(kernel)(*tuple(_d.values())))

</pallas_src>

<mosaic_0001>
#map = affine_map<(d0, d1) -> (0)>
#map1 = affine_map<(d0, d1) -> (0, 0)>
#map2 = affine_map<(d0, d1) -> (0, 0, 0)>
module attributes {stable_mosaic.version = 14 : i64} {
  func.func @_gather_body(%arg0: i32, %arg1: i32, %arg2: memref<8192xi32, #tpu.memory_space<hbm>>, %arg3: memref<8192x1024xf32, #tpu.memory_space<hbm>>, %arg4: memref<8192x1x1024xf32, #tpu.memory_space<hbm>>, %arg5: memref<256xi32, #tpu.memory_space<vmem>>, %arg6: memref<3x32x1024xf32, #tpu.memory_space<vmem>>, %arg7: memref<3x!tpu.dma_semaphore, #tpu.memory_space<semaphore_mem>>, %arg8: memref<3x!tpu.dma_semaphore, #tpu.memory_space<semaphore_mem>>) attributes {dimension_semantics = [#tpu.dimension_semantics<core_parallel>, #tpu.dimension_semantics<subcore_parallel>], iteration_bounds = array<i64: 2, 16>, scalar_prefetch = 0 : i64, scratch_operands = 4 : i64, tpu.core_type = #tpu.core_type<sc_vector_subcore>, window_params = [{transform_indices = #map}, {transform_indices = #map1}, {transform_indices = #map2}]} {
    %mul3A = arith.constant 2 : i32
    %mul3A_0 = arith.muli %arg1, %mul3A : i32
    %add3A = arith.addi %mul3A_0, %arg0 : i32
    %mul3A_1 = arith.constant 256 : i32
    %mul3A_2 = arith.muli %add3A, %mul3A_1 : i32
    "tpu.region"() ({
      %run_scoped3A = tpu.sem_alloc : memref<!tpu.dma_semaphore, #tpu.memory_space<semaphore_mem>>
      %dma_start3A_545 = tpu.memref_slice %arg2[%mul3A_2] : memref<8192xi32, #tpu.memory_space<hbm>> -> memref<256xi32, #tpu.memory_space<hbm>>
      %dma_start3A_546 = tpu.memref_slice %arg2[%mul3A_2] : memref<8192xi32, #tpu.memory_space<hbm>> -> memref<256xi32, #tpu.memory_space<hbm>>
      tpu.enqueue_dma source(%dma_start3A_546 : memref<256xi32, #tpu.memory_space<hbm>>) target(%arg5 : memref<256xi32, #tpu.memory_space<vmem>>) target_semaphore(%run_scoped3A : memref<!tpu.dma_semaphore, #tpu.memory_space<semaphore_mem>>)
      %dma_wait3A_547 = tpu.memref_slice %arg2[%mul3A_2] : memref<8192xi32, #tpu.memory_space<hbm>> -> memref<256xi32, #tpu.memory_space<hbm>>
      %dma_wait3A_548 = tpu.memref_slice %arg2[%mul3A_2] : memref<8192xi32, #tpu.memory_space<hbm>> -> memref<256xi32, #tpu.memory_space<hbm>>
      tpu.wait_dma2 semaphore(%run_scoped3A : memref<!tpu.dma_semaphore, #tpu.memory_space<semaphore_mem>>) src(%dma_wait3A_548 : memref<256xi32, #tpu.memory_space<hbm>>) dst(%arg5 : memref<256xi32, #tpu.memory_space<vmem>>)
      tpu.yield
    }) : () -> ()
    %dma_start3A = arith.constant 0 : i32
    %dma_start3A_3 = arith.constant 0 : i32
    %dma_start3A_4 = arith.constant 0 : i32
    %dma_start3A_5 = arith.constant 0 : i32
    %dma_start3A_6 = tpu.memref_slice %arg6[%dma_start3A, %dma_start3A_4, %dma_start3A_5] : memref<3x32x1024xf32, #tpu.memory_space<vmem>> -> memref<1x32x1024xf32, #tpu.memory_space<vmem>>
    %dma_start3A_7 = tpu.memref_squeeze %dma_start3A_6 : memref<1x32x1024xf32, #tpu.memory_space<vmem>> -> memref<32x1024xf32, #tpu.memory_space<vmem>>
    %dma_start3A_8 = arith.constant 0 : i32
    %dma_start3A_9 = tpu.memref_slice %arg5[%dma_start3A_8] : memref<256xi32, #tpu.memory_space<vmem>> -> memref<32xi32, #tpu.memory_space<vmem>>
    %dma_start3A_10 = arith.constant 0 : i32
    %dma_start3A_11 = arith.constant 0 : i32
    %dma_start3A_12 = tpu.memref_slice %arg3[%dma_start3A_10, %dma_start3A_11] : memref<8192x1024xf32, #tpu.memory_space<hbm>> -> memref<8192x1024xf32, #tpu.memory_space<hbm>>
    %dma_start3A_13 = tpu.memref_slice %arg7[%dma_start3A_3] : memref<3x!tpu.dma_semaphore, #tpu.memory_space<semaphore_mem>> -> memref<1x!tpu.dma_semaphore, #tpu.memory_space<semaphore_mem>>
    %dma_start3A_14 = tpu.memref_squeeze %dma_start3A_13 : memref<1x!tpu.dma_semaphore, #tpu.memory_space<semaphore_mem>> -> memref<!tpu.dma_semaphore, #tpu.memory_space<semaphore_mem>>
    tpu.enqueue_indirect_dma source(%dma_start3A_12 : memref<8192x1024xf32, #tpu.memory_space<hbm>>) target(%dma_start3A_7 : memref<32x1024xf32, #tpu.memory_space<vmem>>) offsets(%dma_start3A_9 : memref<32xi32, #tpu.memory_space<vmem>>) semaphore(%dma_start3A_14 : memref<!tpu.dma_semaphore, #tpu.memory_space<semaphore_mem>>)
    %dma_start3A_15 = arith.constant 1 : i32
    %dma_start3A_16 = arith.constant 1 : i32
    %dma_start3A_17 = arith.constant 0 : i32
    %dma_start3A_18 = arith.constant 0 : i32
    %dma_start3A_19 = tpu.memref_slice %arg6[%dma_start3A_15, %dma_start3A_17, %dma_start3A_18] : memref<3x32x1024xf32, #tpu.memory_space<vmem>> -> memref<1x32x1024xf32, #tpu.memory_space<vmem>>
    %dma_start3A_20 = tpu.memref_squeeze %dma_start3A_19 : memref<1x32x1024xf32, #tpu.memory_space<vmem>> -> memref<32x1024xf32, #tpu.memory_space<vmem>>
    %dma_start3A_21 = arith.constant 32 : i32
    %dma_start3A_22 = tpu.memref_slice %arg5[%dma_start3A_21] : memref<256xi32, #tpu.memory_space<vmem>> -> memref<32xi32, #tpu.memory_space<vmem>>
    %dma_start3A_23 = arith.constant 0 : i32
    %dma_start3A_24 = arith.constant 0 : i32
    %dma_start3A_25 = tpu.memref_slice %arg3[%dma_start3A_23, %dma_start3A_24] : memref<8192x1024xf32, #tpu.memory_space<hbm>> -> memref<8192x1024xf32, #tpu.memory_space<hbm>>
    %dma_start3A_26 = tpu.memref_slice %arg7[%dma_start3A_16] : memref<3x!tpu.dma_semaphore, #tpu.memory_space<semaphore_mem>> -> memref<1x!tpu.dma_semaphore, #tpu.memory_space<semaphore_mem>>
    %dma_start3A_27 = tpu.memref_squeeze %dma_start3A_26 : memref<1x!tpu.dma_semaphore, #tpu.memory_space<semaphore_mem>> -> memref<!tpu.dma_semaphore, #tpu.memory_space<semaphore_mem>>
    tpu.enqueue_indirect_dma source(%dma_start3A_25 : memref<8192x1024xf32, #tpu.memory_space<hbm>>) target(%dma_start3A_20 : memref<32x1024xf32, #tpu.memory_space<vmem>>) offsets(%dma_start3A_22 : memref<32xi32, #tpu.memory_space<vmem>>) semaphore(%dma_start3A_27 : memref<!tpu.dma_semaphore, #tpu.memory_space<semaphore_mem>>)
    %dma_wait3A = arith.constant 0 : i32
    %dma_wait3A_28 = arith.constant 0 : i32
    %dma_wait3A_29 = arith.constant 0 : i32
    %dma_wait3A_30 = arith.constant 0 : i32
    %dma_wait3A_31 = tpu.memref_slice %arg6[%dma_wait3A, %dma_wait3A_29, %dma_wait3A_30] : memref<3x32x1024xf32, #tpu.memory_space<vmem>> -> memref<1x32x1024xf32, #tpu.memory_space<vmem>>
    %dma_wait3A_32 = tpu.memref_squeeze %dma_wait3A_31 : memref<1x32x1024xf32, #tpu.memory_space<vmem>> -> memref<32x1024xf32, #tpu.memory_space<vmem>>
    %dma_wait3A_33 = arith.constant 0 : i32
    %dma_wait3A_34 = tpu.memref_slice %arg5[%dma_wait3A_33] : memref<256xi32, #tpu.memory_space<vmem>> -> memref<32xi32, #tpu.memory_space<vmem>>
    %dma_wait3A_35 = arith.constant 0 : i32
    %dma_wait3A_36 = arith.constant 0 : i32
    %dma_wait3A_37 = tpu.memref_slice %arg3[%dma_wait3A_35, %dma_wait3A_36] : memref<8192x1024xf32, #tpu.memory_space<hbm>> -> memref<8192x1024xf32, #tpu.memory_space<hbm>>
    %dma_wait3A_38 = tpu.memref_slice %arg7[%dma_wait3A_28] : memref<3x!tpu.dma_semaphore, #tpu.memory_space<semaphore_mem>> -> memref<1x!tpu.dma_semaphore, #tpu.memory_space<semaphore_mem>>
    %dma_wait3A_39 = tpu.memref_squeeze %dma_wait3A_38 : memref<1x!tpu.dma_semaphore, #tpu.memory_space<semaphore_mem>> -> memref<!tpu.dma_semaphore, #tpu.memory_space<semaphore_mem>>
    tpu.wait_indirect_dma semaphore(%dma_wait3A_39 : memref<!tpu.dma_semaphore, #tpu.memory_space<semaphore_mem>>) src(%dma_wait3A_37 : memref<8192x1024xf32, #tpu.memory_space<hbm>>) dst(%dma_wait3A_32 : memref<32x1024xf32, #tpu.memory_space<vmem>>)
    %dma_start3A_40 = arith.constant 2 : i32
    %dma_start3A_41 = arith.constant 2 : i32
    %dma_start3A_42 = arith.constant 0 : i32
    %dma_start3A_43 = arith.constant 0 : i32
    %dma_start3A_44 = tpu.memref_slice %arg6[%dma_start3A_40, %dma_start3A_42, %dma_start3A_43] : memref<3x32x1024xf32, #tpu.memory_space<vmem>> -> memref<1x32x1024xf32, #tpu.memory_space<vmem>>
    %dma_start3A_45 = tpu.memref_squeeze %dma_start3A_44 : memref<1x32x1024xf32, #tpu.memory_space<vmem>> -> memref<32x1024xf32, #tpu.memory_space<vmem>>
    %dma_start3A_46 = arith.constant 64 : i32
    %dma_start3A_47 = tpu.memref_slice %arg5[%dma_start3A_46] : memref<256xi32, #tpu.memory_space<vmem>> -> memref<32xi32, #tpu.memory_space<vmem>>
    %dma_start3A_48 = arith.constant 0 : i32
    %dma_start3A_49 = arith.constant 0 : i32
    %dma_start3A_50 = tpu.memref_slice %arg3[%dma_start3A_48, %dma_start3A_49] : memref<8192x1024xf32, #tpu.memory_space<hbm>> -> memref<8192x1024xf32, #tpu.memory_space<hbm>>
    %dma_start3A_51 = tpu.memref_slice %arg7[%dma_start3A_41] : memref<3x!tpu.dma_semaphore, #tpu.memory_space<semaphore_mem>> -> memref<1x!tpu.dma_semaphore, #tpu.memory_space<semaphore_mem>>
    %dma_start3A_52 = tpu.memref_squeeze %dma_start3A_51 : memref<1x!tpu.dma_semaphore, #tpu.memory_space<semaphore_mem>> -> memref<!tpu.dma_semaphore, #tpu.memory_space<semaphore_mem>>
    tpu.enqueue_indirect_dma source(%dma_start3A_50 : memref<8192x1024xf32, #tpu.memory_space<hbm>>) target(%dma_start3A_45 : memref<32x1024xf32, #tpu.memory_space<vmem>>) offsets(%dma_start3A_47 : memref<32xi32, #tpu.memory_space<vmem>>) semaphore(%dma_start3A_52 : memref<!tpu.dma_semaphore, #tpu.memory_space<semaphore_mem>>)
    %add3A_53 = arith.constant 0 : i32
    %add3A_54 = arith.addi %mul3A_2, %add3A_53 : i32
    %dma_start3A_55 = arith.constant 0 : i32
    %dma_start3A_56 = arith.constant 0 : i32
    %dma_start3A_57 = arith.constant 0 : i32
    %dma_start3A_58 = arith.constant 0 : i32
    %dma_start3A_59 = arith.constant 0 : i32
    %dma_start3A_60 = tpu.memref_slice %arg6[%dma_start3A_55, %dma_start3A_58, %dma_start3A_59] : memref<3x32x1024xf32, #tpu.memory_space<vmem>> -> memref<1x32x1024xf32, #tpu.memory_space<vmem>>
    %dma_start3A_61 = tpu.memref_squeeze %dma_start3A_60 : memref<1x32x1024xf32, #tpu.memory_space<vmem>> -> memref<32x1024xf32, #tpu.memory_space<vmem>>
    %dma_start3A_62 = arith.constant 0 : i32
    %dma_start3A_63 = tpu.memref_slice %arg4[%add3A_54, %dma_start3A_56, %dma_start3A_62] : memref<8192x1x1024xf32, #tpu.memory_space<hbm>> -> memref<32x1x1024xf32, #tpu.memory_space<hbm>>
    %dma_start3A_64 = tpu.memref_squeeze %dma_start3A_63 : memref<32x1x1024xf32, #tpu.memory_space<hbm>> -> memref<32x1024xf32, #tpu.memory_space<hbm>>
    %dma_start3A_65 = tpu.memref_slice %arg8[%dma_start3A_57] : memref<3x!tpu.dma_semaphore, #tpu.memory_space<semaphore_mem>> -> memref<1x!tpu.dma_semaphore, #tpu.memory_space<semaphore_mem>>
    %dma_start3A_66 = tpu.memref_squeeze %dma_start3A_65 : memref<1x!tpu.dma_semaphore, #tpu.memory_space<semaphore_mem>> -> memref<!tpu.dma_semaphore, #tpu.memory_space<semaphore_mem>>
    %dma_start3A_67 = arith.constant 0 : i32
    %dma_start3A_68 = tpu.memref_slice %arg4[%add3A_54, %dma_start3A_56, %dma_start3A_67] : memref<8192x1x1024xf32, #tpu.memory_space<hbm>> -> memref<32x1x1024xf32, #tpu.memory_space<hbm>>
    %dma_start3A_69 = tpu.memref_squeeze %dma_start3A_68 : memref<32x1x1024xf32, #tpu.memory_space<hbm>> -> memref<32x1024xf32, #tpu.memory_space<hbm>>
    %dma_start3A_70 = arith.constant 0 : i32
    %dma_start3A_71 = arith.constant 0 : i32
    %dma_start3A_72 = tpu.memref_slice %arg6[%dma_start3A_55, %dma_start3A_70, %dma_start3A_71] : memref<3x32x1024xf32, #tpu.memory_space<vmem>> -> memref<1x32x1024xf32, #tpu.memory_space<vmem>>
    %dma_start3A_73 = tpu.memref_squeeze %dma_start3A_72 : memref<1x32x1024xf32, #tpu.memory_space<vmem>> -> memref<32x1024xf32, #tpu.memory_space<vmem>>
    tpu.enqueue_dma source(%dma_start3A_73 : memref<32x1024xf32, #tpu.memory_space<vmem>>) target(%dma_start3A_69 : memref<32x1024xf32, #tpu.memory_space<hbm>>) target_semaphore(%dma_start3A_66 : memref<!tpu.dma_semaphore, #tpu.memory_space<semaphore_mem>>)
    %dma_wait3A_74 = arith.constant 1 : i32
    %dma_wait3A_75 = arith.constant 1 : i32
    %dma_wait3A_76 = arith.constant 0 : i32
    %dma_wait3A_77 = arith.constant 0 : i32
    %dma_wait3A_78 = tpu.memref_slice %arg6[%dma_wait3A_74, %dma_wait3A_76, %dma_wait3A_77] : memref<3x32x1024xf32, #tpu.memory_space<vmem>> -> memref<1x32x1024xf32, #tpu.memory_space<vmem>>
    %dma_wait3A_79 = tpu.memref_squeeze %dma_wait3A_78 : memref<1x32x1024xf32, #tpu.memory_space<vmem>> -> memref<32x1024xf32, #tpu.memory_space<vmem>>
    %dma_wait3A_80 = arith.constant 32 : i32
    %dma_wait3A_81 = tpu.memref_slice %arg5[%dma_wait3A_80] : memref<256xi32, #tpu.memory_space<vmem>> -> memref<32xi32, #tpu.memory_space<vmem>>
    %dma_wait3A_82 = arith.constant 0 : i32
    %dma_wait3A_83 = arith.constant 0 : i32
    %dma_wait3A_84 = tpu.memref_slice %arg3[%dma_wait3A_82, %dma_wait3A_83] : memref<8192x1024xf32, #tpu.memory_space<hbm>> -> memref<8192x1024xf32, #tpu.memory_space<hbm>>
    %dma_wait3A_85 = tpu.memref_slice %arg7[%dma_wait3A_75] : memref<3x!tpu.dma_semaphore, #tpu.memory_space<semaphore_mem>> -> memref<1x!tpu.dma_semaphore, #tpu.memory_space<semaphore_mem>>
    %dma_wait3A_86 = tpu.memref_squeeze %dma_wait3A_85 : memref<1x!tpu.dma_semaphore, #tpu.memory_space<semaphore_mem>> -> memref<!tpu.dma_semaphore, #tpu.memory_space<semaphore_mem>>
    tpu.wait_indirect_dma semaphore(%dma_wait3A_86 : memref<!tpu.dma_semaphore, #tpu.memory_space<semaphore_mem>>) src(%dma_wait3A_84 : memref<8192x1024xf32, #tpu.memory_space<hbm>>) dst(%dma_wait3A_79 : memref<32x1024xf32, #tpu.memory_space<vmem>>)
    %add3A_87 = arith.constant 0 : i32
    %add3A_88 = arith.addi %mul3A_2, %add3A_87 : i32
    %dma_wait3A_89 = arith.constant 0 : i32
    %dma_wait3A_90 = arith.constant 0 : i32
    %dma_wait3A_91 = arith.constant 0 : i32
    %dma_wait3A_92 = arith.constant 0 : i32
    %dma_wait3A_93 = arith.constant 0 : i32
    %dma_wait3A_94 = tpu.memref_slice %arg6[%dma_wait3A_89, %dma_wait3A_92, %dma_wait3A_93] : memref<3x32x1024xf32, #tpu.memory_space<vmem>> -> memref<1x32x1024xf32, #tpu.memory_space<vmem>>
    %dma_wait3A_95 = tpu.memref_squeeze %dma_wait3A_94 : memref<1x32x1024xf32, #tpu.memory_space<vmem>> -> memref<32x1024xf32, #tpu.memory_space<vmem>>
    %dma_wait3A_96 = arith.constant 0 : i32
    %dma_wait3A_97 = tpu.memref_slice %arg4[%add3A_88, %dma_wait3A_90, %dma_wait3A_96] : memref<8192x1x1024xf32, #tpu.memory_space<hbm>> -> memref<32x1x1024xf32, #tpu.memory_space<hbm>>
    %dma_wait3A_98 = tpu.memref_squeeze %dma_wait3A_97 : memref<32x1x1024xf32, #tpu.memory_space<hbm>> -> memref<32x1024xf32, #tpu.memory_space<hbm>>
    %dma_wait3A_99 = tpu.memref_slice %arg8[%dma_wait3A_91] : memref<3x!tpu.dma_semaphore, #tpu.memory_space<semaphore_mem>> -> memref<1x!tpu.dma_semaphore, #tpu.memory_space<semaphore_mem>>
    %dma_wait3A_100 = tpu.memref_squeeze %dma_wait3A_99 : memref<1x!tpu.dma_semaphore, #tpu.memory_space<semaphore_mem>> -> memref<!tpu.dma_semaphore, #tpu.memory_space<semaphore_mem>>
    %dma_wait3A_101 = arith.constant 0 : i32
    %dma_wait3A_102 = tpu.memref_slice %arg4[%add3A_88, %dma_wait3A_90, %dma_wait3A_101] : memref<8192x1x1024xf32, #tpu.memory_space<hbm>> -> memref<32x1x1024xf32, #tpu.memory_space<hbm>>
    %dma_wait3A_103 = tpu.memref_squeeze %dma_wait3A_102 : memref<32x1x1024xf32, #tpu.memory_space<hbm>> -> memref<32x1024xf32, #tpu.memory_space<hbm>>
    %dma_wait3A_104 = arith.constant 0 : i32
    %dma_wait3A_105 = arith.constant 0 : i32
    %dma_wait3A_106 = tpu.memref_slice %arg6[%dma_wait3A_89, %dma_wait3A_104, %dma_wait3A_105] : memref<3x32x1024xf32, #tpu.memory_space<vmem>> -> memref<1x32x1024xf32, #tpu.memory_space<vmem>>
    %dma_wait3A_107 = tpu.memref_squeeze %dma_wait3A_106 : memref<1x32x1024xf32, #tpu.memory_space<vmem>> -> memref<32x1024xf32, #tpu.memory_space<vmem>>
    tpu.wait_dma2 semaphore(%dma_wait3A_100 : memref<!tpu.dma_semaphore, #tpu.memory_space<semaphore_mem>>) src(%dma_wait3A_107 : memref<32x1024xf32, #tpu.memory_space<vmem>>) dst(%dma_wait3A_103 : memref<32x1024xf32, #tpu.memory_space<hbm>>)
    %dma_start3A_108 = arith.constant 0 : i32
    %dma_start3A_109 = arith.constant 0 : i32
    %dma_start3A_110 = arith.constant 0 : i32
    %dma_start3A_111 = arith.constant 0 : i32
    %dma_start3A_112 = tpu.memref_slice %arg6[%dma_start3A_108, %dma_start3A_110, %dma_start3A_111] : memref<3x32x1024xf32, #tpu.memory_space<vmem>> -> memref<1x32x1024xf32, #tpu.memory_space<vmem>>
    %dma_start3A_113 = tpu.memref_squeeze %dma_start3A_112 : memref<1x32x1024xf32, #tpu.memory_space<vmem>> -> memref<32x1024xf32, #tpu.memory_space<vmem>>
    %dma_start3A_114 = arith.constant 96 : i32
    %dma_start3A_115 = tpu.memref_slice %arg5[%dma_start3A_114] : memref<256xi32, #tpu.memory_space<vmem>> -> memref<32xi32, #tpu.memory_space<vmem>>
    %dma_start3A_116 = arith.constant 0 : i32
    %dma_start3A_117 = arith.constant 0 : i32
    %dma_start3A_118 = tpu.memref_slice %arg3[%dma_start3A_116, %dma_start3A_117] : memref<8192x1024xf32, #tpu.memory_space<hbm>> -> memref<8192x1024xf32, #tpu.memory_space<hbm>>
    %dma_start3A_119 = tpu.memref_slice %arg7[%dma_start3A_109] : memref<3x!tpu.dma_semaphore, #tpu.memory_space<semaphore_mem>> -> memref<1x!tpu.dma_semaphore, #tpu.memory_space<semaphore_mem>>
    %dma_start3A_120 = tpu.memref_squeeze %dma_start3A_119 : memref<1x!tpu.dma_semaphore, #tpu.memory_space<semaphore_mem>> -> memref<!tpu.dma_semaphore, #tpu.memory_space<semaphore_mem>>
    tpu.enqueue_indirect_dma source(%dma_start3A_118 : memref<8192x1024xf32, #tpu.memory_space<hbm>>) target(%dma_start3A_113 : memref<32x1024xf32, #tpu.memory_space<vmem>>) offsets(%dma_start3A_115 : memref<32xi32, #tpu.memory_space<vmem>>) semaphore(%dma_start3A_120 : memref<!tpu.dma_semaphore, #tpu.memory_space<semaphore_mem>>)
    %add3A_121 = arith.constant 32 : i32
    %add3A_122 = arith.addi %mul3A_2, %add3A_121 : i32
    %dma_start3A_123 = arith.constant 1 : i32
    %dma_start3A_124 = arith.constant 0 : i32
    %dma_start3A_125 = arith.constant 1 : i32
    %dma_start3A_126 = arith.constant 0 : i32
    %dma_start3A_127 = arith.constant 0 : i32
    %dma_start3A_128 = tpu.memref_slice %arg6[%dma_start3A_123, %dma_start3A_126, %dma_start3A_127] : memref<3x32x1024xf32, #tpu.memory_space<vmem>> -> memref<1x32x1024xf32, #tpu.memory_space<vmem>>
    %dma_start3A_129 = tpu.memref_squeeze %dma_start3A_128 : memref<1x32x1024xf32, #tpu.memory_space<vmem>> -> memref<32x1024xf32, #tpu.memory_space<vmem>>
    %dma_start3A_130 = arith.constant 0 : i32
    %dma_start3A_131 = tpu.memref_slice %arg4[%add3A_122, %dma_start3A_124, %dma_start3A_130] : memref<8192x1x1024xf32, #tpu.memory_space<hbm>> -> memref<32x1x1024xf32, #tpu.memory_space<hbm>>
    %dma_start3A_132 = tpu.memref_squeeze %dma_start3A_131 : memref<32x1x1024xf32, #tpu.memory_space<hbm>> -> memref<32x1024xf32, #tpu.memory_space<hbm>>
    %dma_start3A_133 = tpu.memref_slice %arg8[%dma_start3A_125] : memref<3x!tpu.dma_semaphore, #tpu.memory_space<semaphore_mem>> -> memref<1x!tpu.dma_semaphore, #tpu.memory_space<semaphore_mem>>
    %dma_start3A_134 = tpu.memref_squeeze %dma_start3A_133 : memref<1x!tpu.dma_semaphore, #tpu.memory_space<semaphore_mem>> -> memref<!tpu.dma_semaphore, #tpu.memory_space<semaphore_mem>>
    %dma_start3A_135 = arith.constant 0 : i32
    %dma_start3A_136 = tpu.memref_slice %arg4[%add3A_122, %dma_start3A_124, %dma_start3A_135] : memref<8192x1x1024xf32, #tpu.memory_space<hbm>> -> memref<32x1x1024xf32, #tpu.memory_space<hbm>>
    %dma_start3A_137 = tpu.memref_squeeze %dma_start3A_136 : memref<32x1x1024xf32, #tpu.memory_space<hbm>> -> memref<32x1024xf32, #tpu.memory_space<hbm>>
    %dma_start3A_138 = arith.constant 0 : i32
    %dma_start3A_139 = arith.constant 0 : i32
    %dma_start3A_140 = tpu.memref_slice %arg6[%dma_start3A_123, %dma_start3A_138, %dma_start3A_139] : memref<3x32x1024xf32, #tpu.memory_space<vmem>> -> memref<1x32x1024xf32, #tpu.memory_space<vmem>>
    %dma_start3A_141 = tpu.memref_squeeze %dma_start3A_140 : memref<1x32x1024xf32, #tpu.memory_space<vmem>> -> memref<32x1024xf32, #tpu.memory_space<vmem>>
    tpu.enqueue_dma source(%dma_start3A_141 : memref<32x1024xf32, #tpu.memory_space<vmem>>) target(%dma_start3A_137 : memref<32x1024xf32, #tpu.memory_space<hbm>>) target_semaphore(%dma_start3A_134 : memref<!tpu.dma_semaphore, #tpu.memory_space<semaphore_mem>>)
    %dma_wait3A_142 = arith.constant 2 : i32
    %dma_wait3A_143 = arith.constant 2 : i32
    %dma_wait3A_144 = arith.constant 0 : i32
    %dma_wait3A_145 = arith.constant 0 : i32
    %dma_wait3A_146 = tpu.memref_slice %arg6[%dma_wait3A_142, %dma_wait3A_144, %dma_wait3A_145] : memref<3x32x1024xf32, #tpu.memory_space<vmem>> -> memref<1x32x1024xf32, #tpu.memory_space<vmem>>
    %dma_wait3A_147 = tpu.memref_squeeze %dma_wait3A_146 : memref<1x32x1024xf32, #tpu.memory_space<vmem>> -> memref<32x1024xf32, #tpu.memory_space<vmem>>
    %dma_wait3A_148 = arith.constant 64 : i32
    %dma_wait3A_149 = tpu.memref_slice %arg5[%dma_wait3A_148] : memref<256xi32, #tpu.memory_space<vmem>> -> memref<32xi32, #tpu.memory_space<vmem>>
    %dma_wait3A_150 = arith.constant 0 : i32
    %dma_wait3A_151 = arith.constant 0 : i32
    %dma_wait3A_152 = tpu.memref_slice %arg3[%dma_wait3A_150, %dma_wait3A_151] : memref<8192x1024xf32, #tpu.memory_space<hbm>> -> memref<8192x1024xf32, #tpu.memory_space<hbm>>
    %dma_wait3A_153 = tpu.memref_slice %arg7[%dma_wait3A_143] : memref<3x!tpu.dma_semaphore, #tpu.memory_space<semaphore_mem>> -> memref<1x!tpu.dma_semaphore, #tpu.memory_space<semaphore_mem>>
    %dma_wait3A_154 = tpu.memref_squeeze %dma_wait3A_153 : memref<1x!tpu.dma_semaphore, #tpu.memory_space<semaphore_mem>> -> memref<!tpu.dma_semaphore, #tpu.memory_space<semaphore_mem>>
    tpu.wait_indirect_dma semaphore(%dma_wait3A_154 : memref<!tpu.dma_semaphore, #tpu.memory_space<semaphore_mem>>) src(%dma_wait3A_152 : memref<8192x1024xf32, #tpu.memory_space<hbm>>) dst(%dma_wait3A_147 : memref<32x1024xf32, #tpu.memory_space<vmem>>)
    %add3A_155 = arith.constant 32 : i32
    %add3A_156 = arith.addi %mul3A_2, %add3A_155 : i32
    %dma_wait3A_157 = arith.constant 1 : i32
    %dma_wait3A_158 = arith.constant 0 : i32
    %dma_wait3A_159 = arith.constant 1 : i32
    %dma_wait3A_160 = arith.constant 0 : i32
    %dma_wait3A_161 = arith.constant 0 : i32
    %dma_wait3A_162 = tpu.memref_slice %arg6[%dma_wait3A_157, %dma_wait3A_160, %dma_wait3A_161] : memref<3x32x1024xf32, #tpu.memory_space<vmem>> -> memref<1x32x1024xf32, #tpu.memory_space<vmem>>
    %dma_wait3A_163 = tpu.memref_squeeze %dma_wait3A_162 : memref<1x32x1024xf32, #tpu.memory_space<vmem>> -> memref<32x1024xf32, #tpu.memory_space<vmem>>
    %dma_wait3A_164 = arith.constant 0 : i32
    %dma_wait3A_165 = tpu.memref_slice %arg4[%add3A_156, %dma_wait3A_158, %dma_wait3A_164] : memref<8192x1x1024xf32, #tpu.memory_space<hbm>> -> memref<32x1x1024xf32, #tpu.memory_space<hbm>>
    %dma_wait3A_166 = tpu.memref_squeeze %dma_wait3A_165 : memref<32x1x1024xf32, #tpu.memory_space<hbm>> -> memref<32x1024xf32, #tpu.memory_space<hbm>>
    %dma_wait3A_167 = tpu.memref_slice %arg8[%dma_wait3A_159] : memref<3x!tpu.dma_semaphore, #tpu.memory_space<semaphore_mem>> -> memref<1x!tpu.dma_semaphore, #tpu.memory_space<semaphore_mem>>
    %dma_wait3A_168 = tpu.memref_squeeze %dma_wait3A_167 : memref<1x!tpu.dma_semaphore, #tpu.memory_space<semaphore_mem>> -> memref<!tpu.dma_semaphore, #tpu.memory_space<semaphore_mem>>
    %dma_wait3A_169 = arith.constant 0 : i32
    %dma_wait3A_170 = tpu.memref_slice %arg4[%add3A_156, %dma_wait3A_158, %dma_wait3A_169] : memref<8192x1x1024xf32, #tpu.memory_space<hbm>> -> memref<32x1x1024xf32, #tpu.memory_space<hbm>>
    %dma_wait3A_171 = tpu.memref_squeeze %dma_wait3A_170 : memref<32x1x1024xf32, #tpu.memory_space<hbm>> -> memref<32x1024xf32, #tpu.memory_space<hbm>>
    %dma_wait3A_172 = arith.constant 0 : i32
    %dma_wait3A_173 = arith.constant 0 : i32
    %dma_wait3A_174 = tpu.memref_slice %arg6[%dma_wait3A_157, %dma_wait3A_172, %dma_wait3A_173] : memref<3x32x1024xf32, #tpu.memory_space<vmem>> -> memref<1x32x1024xf32, #tpu.memory_space<vmem>>
    %dma_wait3A_175 = tpu.memref_squeeze %dma_wait3A_174 : memref<1x32x1024xf32, #tpu.memory_space<vmem>> -> memref<32x1024xf32, #tpu.memory_space<vmem>>
    tpu.wait_dma2 semaphore(%dma_wait3A_168 : memref<!tpu.dma_semaphore, #tpu.memory_space<semaphore_mem>>) src(%dma_wait3A_175 : memref<32x1024xf32, #tpu.memory_space<vmem>>) dst(%dma_wait3A_171 : memref<32x1024xf32, #tpu.memory_space<hbm>>)
    %dma_start3A_176 = arith.constant 1 : i32
    %dma_start3A_177 = arith.constant 1 : i32
    %dma_start3A_178 = arith.constant 0 : i32
    %dma_start3A_179 = arith.constant 0 : i32
    %dma_start3A_180 = tpu.memref_slice %arg6[%dma_start3A_176, %dma_start3A_178, %dma_start3A_179] : memref<3x32x1024xf32, #tpu.memory_space<vmem>> -> memref<1x32x1024xf32, #tpu.memory_space<vmem>>
    %dma_start3A_181 = tpu.memref_squeeze %dma_start3A_180 : memref<1x32x1024xf32, #tpu.memory_space<vmem>> -> memref<32x1024xf32, #tpu.memory_space<vmem>>
    %dma_start3A_182 = arith.constant 128 : i32
    %dma_start3A_183 = tpu.memref_slice %arg5[%dma_start3A_182] : memref<256xi32, #tpu.memory_space<vmem>> -> memref<32xi32, #tpu.memory_space<vmem>>
    %dma_start3A_184 = arith.constant 0 : i32
    %dma_start3A_185 = arith.constant 0 : i32
    %dma_start3A_186 = tpu.memref_slice %arg3[%dma_start3A_184, %dma_start3A_185] : memref<8192x1024xf32, #tpu.memory_space<hbm>> -> memref<8192x1024xf32, #tpu.memory_space<hbm>>
    %dma_start3A_187 = tpu.memref_slice %arg7[%dma_start3A_177] : memref<3x!tpu.dma_semaphore, #tpu.memory_space<semaphore_mem>> -> memref<1x!tpu.dma_semaphore, #tpu.memory_space<semaphore_mem>>
    %dma_start3A_188 = tpu.memref_squeeze %dma_start3A_187 : memref<1x!tpu.dma_semaphore, #tpu.memory_space<semaphore_mem>> -> memref<!tpu.dma_semaphore, #tpu.memory_space<semaphore_mem>>
    tpu.enqueue_indirect_dma source(%dma_start3A_186 : memref<8192x1024xf32, #tpu.memory_space<hbm>>) target(%dma_start3A_181 : memref<32x1024xf32, #tpu.memory_space<vmem>>) offsets(%dma_start3A_183 : memref<32xi32, #tpu.memory_space<vmem>>) semaphore(%dma_start3A_188 : memref<!tpu.dma_semaphore, #tpu.memory_space<semaphore_mem>>)
    %add3A_189 = arith.constant 64 : i32
    %add3A_190 = arith.addi %mul3A_2, %add3A_189 : i32
    %dma_start3A_191 = arith.constant 2 : i32
    %dma_start3A_192 = arith.constant 0 : i32
    %dma_start3A_193 = arith.constant 2 : i32
    %dma_start3A_194 = arith.constant 0 : i32
    %dma_start3A_195 = arith.constant 0 : i32
    %dma_start3A_196 = tpu.memref_slice %arg6[%dma_start3A_191, %dma_start3A_194, %dma_start3A_195] : memref<3x32x1024xf32, #tpu.memory_space<vmem>> -> memref<1x32x1024xf32, #tpu.memory_space<vmem>>
    %dma_start3A_197 = tpu.memref_squeeze %dma_start3A_196 : memref<1x32x1024xf32, #tpu.memory_space<vmem>> -> memref<32x1024xf32, #tpu.memory_space<vmem>>
    %dma_start3A_198 = arith.constant 0 : i32
    %dma_start3A_199 = tpu.memref_slice %arg4[%add3A_190, %dma_start3A_192, %dma_start3A_198] : memref<8192x1x1024xf32, #tpu.memory_space<hbm>> -> memref<32x1x1024xf32, #tpu.memory_space<hbm>>
    %dma_start3A_200 = tpu.memref_squeeze %dma_start3A_199 : memref<32x1x1024xf32, #tpu.memory_space<hbm>> -> memref<32x1024xf32, #tpu.memory_space<hbm>>
    %dma_start3A_201 = tpu.memref_slice %arg8[%dma_start3A_193] : memref<3x!tpu.dma_semaphore, #tpu.memory_space<semaphore_mem>> -> memref<1x!tpu.dma_semaphore, #tpu.memory_space<semaphore_mem>>
    %dma_start3A_202 = tpu.memref_squeeze %dma_start3A_201 : memref<1x!tpu.dma_semaphore, #tpu.memory_space<semaphore_mem>> -> memref<!tpu.dma_semaphore, #tpu.memory_space<semaphore_mem>>
    %dma_start3A_203 = arith.constant 0 : i32
    %dma_start3A_204 = tpu.memref_slice %arg4[%add3A_190, %dma_start3A_192, %dma_start3A_203] : memref<8192x1x1024xf32, #tpu.memory_space<hbm>> -> memref<32x1x1024xf32, #tpu.memory_space<hbm>>
    %dma_start3A_205 = tpu.memref_squeeze %dma_start3A_204 : memref<32x1x1024xf32, #tpu.memory_space<hbm>> -> memref<32x1024xf32, #tpu.memory_space<hbm>>
    %dma_start3A_206 = arith.constant 0 : i32
    %dma_start3A_207 = arith.constant 0 : i32
    %dma_start3A_208 = tpu.memref_slice %arg6[%dma_start3A_191, %dma_start3A_206, %dma_start3A_207] : memref<3x32x1024xf32, #tpu.memory_space<vmem>> -> memref<1x32x1024xf32, #tpu.memory_space<vmem>>
    %dma_start3A_209 = tpu.memref_squeeze %dma_start3A_208 : memref<1x32x1024xf32, #tpu.memory_space<vmem>> -> memref<32x1024xf32, #tpu.memory_space<vmem>>
    tpu.enqueue_dma source(%dma_start3A_209 : memref<32x1024xf32, #tpu.memory_space<vmem>>) target(%dma_start3A_205 : memref<32x1024xf32, #tpu.memory_space<hbm>>) target_semaphore(%dma_start3A_202 : memref<!tpu.dma_semaphore, #tpu.memory_space<semaphore_mem>>)
    %dma_wait3A_210 = arith.constant 0 : i32
    %dma_wait3A_211 = arith.constant 0 : i32
    %dma_wait3A_212 = arith.constant 0 : i32
    %dma_wait3A_213 = arith.constant 0 : i32
    %dma_wait3A_214 = tpu.memref_slice %arg6[%dma_wait3A_210, %dma_wait3A_212, %dma_wait3A_213] : memref<3x32x1024xf32, #tpu.memory_space<vmem>> -> memref<1x32x1024xf32, #tpu.memory_space<vmem>>
    %dma_wait3A_215 = tpu.memref_squeeze %dma_wait3A_214 : memref<1x32x1024xf32, #tpu.memory_space<vmem>> -> memref<32x1024xf32, #tpu.memory_space<vmem>>
    %dma_wait3A_216 = arith.constant 96 : i32
    %dma_wait3A_217 = tpu.memref_slice %arg5[%dma_wait3A_216] : memref<256xi32, #tpu.memory_space<vmem>> -> memref<32xi32, #tpu.memory_space<vmem>>
    %dma_wait3A_218 = arith.constant 0 : i32
    %dma_wait3A_219 = arith.constant 0 : i32
    %dma_wait3A_220 = tpu.memref_slice %arg3[%dma_wait3A_218, %dma_wait3A_219] : memref<8192x1024xf32, #tpu.memory_space<hbm>> -> memref<8192x1024xf32, #tpu.memory_space<hbm>>
    %dma_wait3A_221 = tpu.memref_slice %arg7[%dma_wait3A_211] : memref<3x!tpu.dma_semaphore, #tpu.memory_space<semaphore_mem>> -> memref<1x!tpu.dma_semaphore, #tpu.memory_space<semaphore_mem>>
    %dma_wait3A_222 = tpu.memref_squeeze %dma_wait3A_221 : memref<1x!tpu.dma_semaphore, #tpu.memory_space<semaphore_mem>> -> memref<!tpu.dma_semaphore, #tpu.memory_space<semaphore_mem>>
    tpu.wait_indirect_dma semaphore(%dma_wait3A_222 : memref<!tpu.dma_semaphore, #tpu.memory_space<semaphore_mem>>) src(%dma_wait3A_220 : memref<8192x1024xf32, #tpu.memory_space<hbm>>) dst(%dma_wait3A_215 : memref<32x1024xf32, #tpu.memory_space<vmem>>)
    %add3A_223 = arith.constant 64 : i32
    %add3A_224 = arith.addi %mul3A_2, %add3A_223 : i32
    %dma_wait3A_225 = arith.constant 2 : i32
    %dma_wait3A_226 = arith.constant 0 : i32
    %dma_wait3A_227 = arith.constant 2 : i32
    %dma_wait3A_228 = arith.constant 0 : i32
    %dma_wait3A_229 = arith.constant 0 : i32
    %dma_wait3A_230 = tpu.memref_slice %arg6[%dma_wait3A_225, %dma_wait3A_228, %dma_wait3A_229] : memref<3x32x1024xf32, #tpu.memory_space<vmem>> -> memref<1x32x1024xf32, #tpu.memory_space<vmem>>
    %dma_wait3A_231 = tpu.memref_squeeze %dma_wait3A_230 : memref<1x32x1024xf32, #tpu.memory_space<vmem>> -> memref<32x1024xf32, #tpu.memory_space<vmem>>
    %dma_wait3A_232 = arith.constant 0 : i32
    %dma_wait3A_233 = tpu.memref_slice %arg4[%add3A_224, %dma_wait3A_226, %dma_wait3A_232] : memref<8192x1x1024xf32, #tpu.memory_space<hbm>> -> memref<32x1x1024xf32, #tpu.memory_space<hbm>>
    %dma_wait3A_234 = tpu.memref_squeeze %dma_wait3A_233 : memref<32x1x1024xf32, #tpu.memory_space<hbm>> -> memref<32x1024xf32, #tpu.memory_space<hbm>>
    %dma_wait3A_235 = tpu.memref_slice %arg8[%dma_wait3A_227] : memref<3x!tpu.dma_semaphore, #tpu.memory_space<semaphore_mem>> -> memref<1x!tpu.dma_semaphore, #tpu.memory_space<semaphore_mem>>
    %dma_wait3A_236 = tpu.memref_squeeze %dma_wait3A_235 : memref<1x!tpu.dma_semaphore, #tpu.memory_space<semaphore_mem>> -> memref<!tpu.dma_semaphore, #tpu.memory_space<semaphore_mem>>
    %dma_wait3A_237 = arith.constant 0 : i32
    %dma_wait3A_238 = tpu.memref_slice %arg4[%add3A_224, %dma_wait3A_226, %dma_wait3A_237] : memref<8192x1x1024xf32, #tpu.memory_space<hbm>> -> memref<32x1x1024xf32, #tpu.memory_space<hbm>>
    %dma_wait3A_239 = tpu.memref_squeeze %dma_wait3A_238 : memref<32x1x1024xf32, #tpu.memory_space<hbm>> -> memref<32x1024xf32, #tpu.memory_space<hbm>>
    %dma_wait3A_240 = arith.constant 0 : i32
    %dma_wait3A_241 = arith.constant 0 : i32
    %dma_wait3A_242 = tpu.memref_slice %arg6[%dma_wait3A_225, %dma_wait3A_240, %dma_wait3A_241] : memref<3x32x1024xf32, #tpu.memory_space<vmem>> -> memref<1x32x1024xf32, #tpu.memory_space<vmem>>
    %dma_wait3A_243 = tpu.memref_squeeze %dma_wait3A_242 : memref<1x32x1024xf32, #tpu.memory_space<vmem>> -> memref<32x1024xf32, #tpu.memory_space<vmem>>
    tpu.wait_dma2 semaphore(%dma_wait3A_236 : memref<!tpu.dma_semaphore, #tpu.memory_space<semaphore_mem>>) src(%dma_wait3A_243 : memref<32x1024xf32, #tpu.memory_space<vmem>>) dst(%dma_wait3A_239 : memref<32x1024xf32, #tpu.memory_space<hbm>>)
    %dma_start3A_244 = arith.constant 2 : i32
    %dma_start3A_245 = arith.constant 2 : i32
    %dma_start3A_246 = arith.constant 0 : i32
    %dma_start3A_247 = arith.constant 0 : i32
    %dma_start3A_248 = tpu.memref_slice %arg6[%dma_start3A_244, %dma_start3A_246, %dma_start3A_247] : memref<3x32x1024xf32, #tpu.memory_space<vmem>> -> memref<1x32x1024xf32, #tpu.memory_space<vmem>>
    %dma_start3A_249 = tpu.memref_squeeze %dma_start3A_248 : memref<1x32x1024xf32, #tpu.memory_space<vmem>> -> memref<32x1024xf32, #tpu.memory_space<vmem>>
    %dma_start3A_250 = arith.constant 160 : i32
    %dma_start3A_251 = tpu.memref_slice %arg5[%dma_start3A_250] : memref<256xi32, #tpu.memory_space<vmem>> -> memref<32xi32, #tpu.memory_space<vmem>>
    %dma_start3A_252 = arith.constant 0 : i32
    %dma_start3A_253 = arith.constant 0 : i32
    %dma_start3A_254 = tpu.memref_slice %arg3[%dma_start3A_252, %dma_start3A_253] : memref<8192x1024xf32, #tpu.memory_space<hbm>> -> memref<8192x1024xf32, #tpu.memory_space<hbm>>
    %dma_start3A_255 = tpu.memref_slice %arg7[%dma_start3A_245] : memref<3x!tpu.dma_semaphore, #tpu.memory_space<semaphore_mem>> -> memref<1x!tpu.dma_semaphore, #tpu.memory_space<semaphore_mem>>
    %dma_start3A_256 = tpu.memref_squeeze %dma_start3A_255 : memref<1x!tpu.dma_semaphore, #tpu.memory_space<semaphore_mem>> -> memref<!tpu.dma_semaphore, #tpu.memory_space<semaphore_mem>>
    tpu.enqueue_indirect_dma source(%dma_start3A_254 : memref<8192x1024xf32, #tpu.memory_space<hbm>>) target(%dma_start3A_249 : memref<32x1024xf32, #tpu.memory_space<vmem>>) offsets(%dma_start3A_251 : memref<32xi32, #tpu.memory_space<vmem>>) semaphore(%dma_start3A_256 : memref<!tpu.dma_semaphore, #tpu.memory_space<semaphore_mem>>)
    %add3A_257 = arith.constant 96 : i32
    %add3A_258 = arith.addi %mul3A_2, %add3A_257 : i32
    %dma_start3A_259 = arith.constant 0 : i32
    %dma_start3A_260 = arith.constant 0 : i32
    %dma_start3A_261 = arith.constant 0 : i32
    %dma_start3A_262 = arith.constant 0 : i32
    %dma_start3A_263 = arith.constant 0 : i32
    %dma_start3A_264 = tpu.memref_slice %arg6[%dma_start3A_259, %dma_start3A_262, %dma_start3A_263] : memref<3x32x1024xf32, #tpu.memory_space<vmem>> -> memref<1x32x1024xf32, #tpu.memory_space<vmem>>
    %dma_start3A_265 = tpu.memref_squeeze %dma_start3A_264 : memref<1x32x1024xf32, #tpu.memory_space<vmem>> -> memref<32x1024xf32, #tpu.memory_space<vmem>>
    %dma_start3A_266 = arith.constant 0 : i32
    %dma_start3A_267 = tpu.memref_slice %arg4[%add3A_258, %dma_start3A_260, %dma_start3A_266] : memref<8192x1x1024xf32, #tpu.memory_space<hbm>> -> memref<32x1x1024xf32, #tpu.memory_space<hbm>>
    %dma_start3A_268 = tpu.memref_squeeze %dma_start3A_267 : memref<32x1x1024xf32, #tpu.memory_space<hbm>> -> memref<32x1024xf32, #tpu.memory_space<hbm>>
    %dma_start3A_269 = tpu.memref_slice %arg8[%dma_start3A_261] : memref<3x!tpu.dma_semaphore, #tpu.memory_space<semaphore_mem>> -> memref<1x!tpu.dma_semaphore, #tpu.memory_space<semaphore_mem>>
    %dma_start3A_270 = tpu.memref_squeeze %dma_start3A_269 : memref<1x!tpu.dma_semaphore, #tpu.memory_space<semaphore_mem>> -> memref<!tpu.dma_semaphore, #tpu.memory_space<semaphore_mem>>
    %dma_start3A_271 = arith.constant 0 : i32
    %dma_start3A_272 = tpu.memref_slice %arg4[%add3A_258, %dma_start3A_260, %dma_start3A_271] : memref<8192x1x1024xf32, #tpu.memory_space<hbm>> -> memref<32x1x1024xf32, #tpu.memory_space<hbm>>
    %dma_start3A_273 = tpu.memref_squeeze %dma_start3A_272 : memref<32x1x1024xf32, #tpu.memory_space<hbm>> -> memref<32x1024xf32, #tpu.memory_space<hbm>>
    %dma_start3A_274 = arith.constant 0 : i32
    %dma_start3A_275 = arith.constant 0 : i32
    %dma_start3A_276 = tpu.memref_slice %arg6[%dma_start3A_259, %dma_start3A_274, %dma_start3A_275] : memref<3x32x1024xf32, #tpu.memory_space<vmem>> -> memref<1x32x1024xf32, #tpu.memory_space<vmem>>
    %dma_start3A_277 = tpu.memref_squeeze %dma_start3A_276 : memref<1x32x1024xf32, #tpu.memory_space<vmem>> -> memref<32x1024xf32, #tpu.memory_space<vmem>>
    tpu.enqueue_dma source(%dma_start3A_277 : memref<32x1024xf32, #tpu.memory_space<vmem>>) target(%dma_start3A_273 : memref<32x1024xf32, #tpu.memory_space<hbm>>) target_semaphore(%dma_start3A_270 : memref<!tpu.dma_semaphore, #tpu.memory_space<semaphore_mem>>)
    %dma_wait3A_278 = arith.constant 1 : i32
    %dma_wait3A_279 = arith.constant 1 : i32
    %dma_wait3A_280 = arith.constant 0 : i32
    %dma_wait3A_281 = arith.constant 0 : i32
    %dma_wait3A_282 = tpu.memref_slice %arg6[%dma_wait3A_278, %dma_wait3A_280, %dma_wait3A_281] : memref<3x32x1024xf32, #tpu.memory_space<vmem>> -> memref<1x32x1024xf32, #tpu.memory_space<vmem>>
    %dma_wait3A_283 = tpu.memref_squeeze %dma_wait3A_282 : memref<1x32x1024xf32, #tpu.memory_space<vmem>> -> memref<32x1024xf32, #tpu.memory_space<vmem>>
    %dma_wait3A_284 = arith.constant 128 : i32
    %dma_wait3A_285 = tpu.memref_slice %arg5[%dma_wait3A_284] : memref<256xi32, #tpu.memory_space<vmem>> -> memref<32xi32, #tpu.memory_space<vmem>>
    %dma_wait3A_286 = arith.constant 0 : i32
    %dma_wait3A_287 = arith.constant 0 : i32
    %dma_wait3A_288 = tpu.memref_slice %arg3[%dma_wait3A_286, %dma_wait3A_287] : memref<8192x1024xf32, #tpu.memory_space<hbm>> -> memref<8192x1024xf32, #tpu.memory_space<hbm>>
    %dma_wait3A_289 = tpu.memref_slice %arg7[%dma_wait3A_279] : memref<3x!tpu.dma_semaphore, #tpu.memory_space<semaphore_mem>> -> memref<1x!tpu.dma_semaphore, #tpu.memory_space<semaphore_mem>>
    %dma_wait3A_290 = tpu.memref_squeeze %dma_wait3A_289 : memref<1x!tpu.dma_semaphore, #tpu.memory_space<semaphore_mem>> -> memref<!tpu.dma_semaphore, #tpu.memory_space<semaphore_mem>>
    tpu.wait_indirect_dma semaphore(%dma_wait3A_290 : memref<!tpu.dma_semaphore, #tpu.memory_space<semaphore_mem>>) src(%dma_wait3A_288 : memref<8192x1024xf32, #tpu.memory_space<hbm>>) dst(%dma_wait3A_283 : memref<32x1024xf32, #tpu.memory_space<vmem>>)
    %add3A_291 = arith.constant 96 : i32
    %add3A_292 = arith.addi %mul3A_2, %add3A_291 : i32
    %dma_wait3A_293 = arith.constant 0 : i32
    %dma_wait3A_294 = arith.constant 0 : i32
    %dma_wait3A_295 = arith.constant 0 : i32
    %dma_wait3A_296 = arith.constant 0 : i32
    %dma_wait3A_297 = arith.constant 0 : i32
    %dma_wait3A_298 = tpu.memref_slice %arg6[%dma_wait3A_293, %dma_wait3A_296, %dma_wait3A_297] : memref<3x32x1024xf32, #tpu.memory_space<vmem>> -> memref<1x32x1024xf32, #tpu.memory_space<vmem>>
    %dma_wait3A_299 = tpu.memref_squeeze %dma_wait3A_298 : memref<1x32x1024xf32, #tpu.memory_space<vmem>> -> memref<32x1024xf32, #tpu.memory_space<vmem>>
    %dma_wait3A_300 = arith.constant 0 : i32
    %dma_wait3A_301 = tpu.memref_slice %arg4[%add3A_292, %dma_wait3A_294, %dma_wait3A_300] : memref<8192x1x1024xf32, #tpu.memory_space<hbm>> -> memref<32x1x1024xf32, #tpu.memory_space<hbm>>
    %dma_wait3A_302 = tpu.memref_squeeze %dma_wait3A_301 : memref<32x1x1024xf32, #tpu.memory_space<hbm>> -> memref<32x1024xf32, #tpu.memory_space<hbm>>
    %dma_wait3A_303 = tpu.memref_slice %arg8[%dma_wait3A_295] : memref<3x!tpu.dma_semaphore, #tpu.memory_space<semaphore_mem>> -> memref<1x!tpu.dma_semaphore, #tpu.memory_space<semaphore_mem>>
    %dma_wait3A_304 = tpu.memref_squeeze %dma_wait3A_303 : memref<1x!tpu.dma_semaphore, #tpu.memory_space<semaphore_mem>> -> memref<!tpu.dma_semaphore, #tpu.memory_space<semaphore_mem>>
    %dma_wait3A_305 = arith.constant 0 : i32
    %dma_wait3A_306 = tpu.memref_slice %arg4[%add3A_292, %dma_wait3A_294, %dma_wait3A_305] : memref<8192x1x1024xf32, #tpu.memory_space<hbm>> -> memref<32x1x1024xf32, #tpu.memory_space<hbm>>
    %dma_wait3A_307 = tpu.memref_squeeze %dma_wait3A_306 : memref<32x1x1024xf32, #tpu.memory_space<hbm>> -> memref<32x1024xf32, #tpu.memory_space<hbm>>
    %dma_wait3A_308 = arith.constant 0 : i32
    %dma_wait3A_309 = arith.constant 0 : i32
    %dma_wait3A_310 = tpu.memref_slice %arg6[%dma_wait3A_293, %dma_wait3A_308, %dma_wait3A_309] : memref<3x32x1024xf32, #tpu.memory_space<vmem>> -> memref<1x32x1024xf32, #tpu.memory_space<vmem>>
    %dma_wait3A_311 = tpu.memref_squeeze %dma_wait3A_310 : memref<1x32x1024xf32, #tpu.memory_space<vmem>> -> memref<32x1024xf32, #tpu.memory_space<vmem>>
    tpu.wait_dma2 semaphore(%dma_wait3A_304 : memref<!tpu.dma_semaphore, #tpu.memory_space<semaphore_mem>>) src(%dma_wait3A_311 : memref<32x1024xf32, #tpu.memory_space<vmem>>) dst(%dma_wait3A_307 : memref<32x1024xf32, #tpu.memory_space<hbm>>)
    %dma_start3A_312 = arith.constant 0 : i32
    %dma_start3A_313 = arith.constant 0 : i32
    %dma_start3A_314 = arith.constant 0 : i32
    %dma_start3A_315 = arith.constant 0 : i32
    %dma_start3A_316 = tpu.memref_slice %arg6[%dma_start3A_312, %dma_start3A_314, %dma_start3A_315] : memref<3x32x1024xf32, #tpu.memory_space<vmem>> -> memref<1x32x1024xf32, #tpu.memory_space<vmem>>
    %dma_start3A_317 = tpu.memref_squeeze %dma_start3A_316 : memref<1x32x1024xf32, #tpu.memory_space<vmem>> -> memref<32x1024xf32, #tpu.memory_space<vmem>>
    %dma_start3A_318 = arith.constant 192 : i32
    %dma_start3A_319 = tpu.memref_slice %arg5[%dma_start3A_318] : memref<256xi32, #tpu.memory_space<vmem>> -> memref<32xi32, #tpu.memory_space<vmem>>
    %dma_start3A_320 = arith.constant 0 : i32
    %dma_start3A_321 = arith.constant 0 : i32
    %dma_start3A_322 = tpu.memref_slice %arg3[%dma_start3A_320, %dma_start3A_321] : memref<8192x1024xf32, #tpu.memory_space<hbm>> -> memref<8192x1024xf32, #tpu.memory_space<hbm>>
    %dma_start3A_323 = tpu.memref_slice %arg7[%dma_start3A_313] : memref<3x!tpu.dma_semaphore, #tpu.memory_space<semaphore_mem>> -> memref<1x!tpu.dma_semaphore, #tpu.memory_space<semaphore_mem>>
    %dma_start3A_324 = tpu.memref_squeeze %dma_start3A_323 : memref<1x!tpu.dma_semaphore, #tpu.memory_space<semaphore_mem>> -> memref<!tpu.dma_semaphore, #tpu.memory_space<semaphore_mem>>
    tpu.enqueue_indirect_dma source(%dma_start3A_322 : memref<8192x1024xf32, #tpu.memory_space<hbm>>) target(%dma_start3A_317 : memref<32x1024xf32, #tpu.memory_space<vmem>>) offsets(%dma_start3A_319 : memref<32xi32, #tpu.memory_space<vmem>>) semaphore(%dma_start3A_324 : memref<!tpu.dma_semaphore, #tpu.memory_space<semaphore_mem>>)
    %add3A_325 = arith.constant 128 : i32
    %add3A_326 = arith.addi %mul3A_2, %add3A_325 : i32
    %dma_start3A_327 = arith.constant 1 : i32
    %dma_start3A_328 = arith.constant 0 : i32
    %dma_start3A_329 = arith.constant 1 : i32
    %dma_start3A_330 = arith.constant 0 : i32
    %dma_start3A_331 = arith.constant 0 : i32
    %dma_start3A_332 = tpu.memref_slice %arg6[%dma_start3A_327, %dma_start3A_330, %dma_start3A_331] : memref<3x32x1024xf32, #tpu.memory_space<vmem>> -> memref<1x32x1024xf32, #tpu.memory_space<vmem>>
    %dma_start3A_333 = tpu.memref_squeeze %dma_start3A_332 : memref<1x32x1024xf32, #tpu.memory_space<vmem>> -> memref<32x1024xf32, #tpu.memory_space<vmem>>
    %dma_start3A_334 = arith.constant 0 : i32
    %dma_start3A_335 = tpu.memref_slice %arg4[%add3A_326, %dma_start3A_328, %dma_start3A_334] : memref<8192x1x1024xf32, #tpu.memory_space<hbm>> -> memref<32x1x1024xf32, #tpu.memory_space<hbm>>
    %dma_start3A_336 = tpu.memref_squeeze %dma_start3A_335 : memref<32x1x1024xf32, #tpu.memory_space<hbm>> -> memref<32x1024xf32, #tpu.memory_space<hbm>>
    %dma_start3A_337 = tpu.memref_slice %arg8[%dma_start3A_329] : memref<3x!tpu.dma_semaphore, #tpu.memory_space<semaphore_mem>> -> memref<1x!tpu.dma_semaphore, #tpu.memory_space<semaphore_mem>>
    %dma_start3A_338 = tpu.memref_squeeze %dma_start3A_337 : memref<1x!tpu.dma_semaphore, #tpu.memory_space<semaphore_mem>> -> memref<!tpu.dma_semaphore, #tpu.memory_space<semaphore_mem>>
    %dma_start3A_339 = arith.constant 0 : i32
    %dma_start3A_340 = tpu.memref_slice %arg4[%add3A_326, %dma_start3A_328, %dma_start3A_339] : memref<8192x1x1024xf32, #tpu.memory_space<hbm>> -> memref<32x1x1024xf32, #tpu.memory_space<hbm>>
    %dma_start3A_341 = tpu.memref_squeeze %dma_start3A_340 : memref<32x1x1024xf32, #tpu.memory_space<hbm>> -> memref<32x1024xf32, #tpu.memory_space<hbm>>
    %dma_start3A_342 = arith.constant 0 : i32
    %dma_start3A_343 = arith.constant 0 : i32
    %dma_start3A_344 = tpu.memref_slice %arg6[%dma_start3A_327, %dma_start3A_342, %dma_start3A_343] : memref<3x32x1024xf32, #tpu.memory_space<vmem>> -> memref<1x32x1024xf32, #tpu.memory_space<vmem>>
    %dma_start3A_345 = tpu.memref_squeeze %dma_start3A_344 : memref<1x32x1024xf32, #tpu.memory_space<vmem>> -> memref<32x1024xf32, #tpu.memory_space<vmem>>
    tpu.enqueue_dma source(%dma_start3A_345 : memref<32x1024xf32, #tpu.memory_space<vmem>>) target(%dma_start3A_341 : memref<32x1024xf32, #tpu.memory_space<hbm>>) target_semaphore(%dma_start3A_338 : memref<!tpu.dma_semaphore, #tpu.memory_space<semaphore_mem>>)
    %dma_wait3A_346 = arith.constant 2 : i32
    %dma_wait3A_347 = arith.constant 2 : i32
    %dma_wait3A_348 = arith.constant 0 : i32
    %dma_wait3A_349 = arith.constant 0 : i32
    %dma_wait3A_350 = tpu.memref_slice %arg6[%dma_wait3A_346, %dma_wait3A_348, %dma_wait3A_349] : memref<3x32x1024xf32, #tpu.memory_space<vmem>> -> memref<1x32x1024xf32, #tpu.memory_space<vmem>>
    %dma_wait3A_351 = tpu.memref_squeeze %dma_wait3A_350 : memref<1x32x1024xf32, #tpu.memory_space<vmem>> -> memref<32x1024xf32, #tpu.memory_space<vmem>>
    %dma_wait3A_352 = arith.constant 160 : i32
    %dma_wait3A_353 = tpu.memref_slice %arg5[%dma_wait3A_352] : memref<256xi32, #tpu.memory_space<vmem>> -> memref<32xi32, #tpu.memory_space<vmem>>
    %dma_wait3A_354 = arith.constant 0 : i32
    %dma_wait3A_355 = arith.constant 0 : i32
    %dma_wait3A_356 = tpu.memref_slice %arg3[%dma_wait3A_354, %dma_wait3A_355] : memref<8192x1024xf32, #tpu.memory_space<hbm>> -> memref<8192x1024xf32, #tpu.memory_space<hbm>>
    %dma_wait3A_357 = tpu.memref_slice %arg7[%dma_wait3A_347] : memref<3x!tpu.dma_semaphore, #tpu.memory_space<semaphore_mem>> -> memref<1x!tpu.dma_semaphore, #tpu.memory_space<semaphore_mem>>
    %dma_wait3A_358 = tpu.memref_squeeze %dma_wait3A_357 : memref<1x!tpu.dma_semaphore, #tpu.memory_space<semaphore_mem>> -> memref<!tpu.dma_semaphore, #tpu.memory_space<semaphore_mem>>
    tpu.wait_indirect_dma semaphore(%dma_wait3A_358 : memref<!tpu.dma_semaphore, #tpu.memory_space<semaphore_mem>>) src(%dma_wait3A_356 : memref<8192x1024xf32, #tpu.memory_space<hbm>>) dst(%dma_wait3A_351 : memref<32x1024xf32, #tpu.memory_space<vmem>>)
    %add3A_359 = arith.constant 128 : i32
    %add3A_360 = arith.addi %mul3A_2, %add3A_359 : i32
    %dma_wait3A_361 = arith.constant 1 : i32
    %dma_wait3A_362 = arith.constant 0 : i32
    %dma_wait3A_363 = arith.constant 1 : i32
    %dma_wait3A_364 = arith.constant 0 : i32
    %dma_wait3A_365 = arith.constant 0 : i32
    %dma_wait3A_366 = tpu.memref_slice %arg6[%dma_wait3A_361, %dma_wait3A_364, %dma_wait3A_365] : memref<3x32x1024xf32, #tpu.memory_space<vmem>> -> memref<1x32x1024xf32, #tpu.memory_space<vmem>>
    %dma_wait3A_367 = tpu.memref_squeeze %dma_wait3A_366 : memref<1x32x1024xf32, #tpu.memory_space<vmem>> -> memref<32x1024xf32, #tpu.memory_space<vmem>>
    %dma_wait3A_368 = arith.constant 0 : i32
    %dma_wait3A_369 = tpu.memref_slice %arg4[%add3A_360, %dma_wait3A_362, %dma_wait3A_368] : memref<8192x1x1024xf32, #tpu.memory_space<hbm>> -> memref<32x1x1024xf32, #tpu.memory_space<hbm>>
    %dma_wait3A_370 = tpu.memref_squeeze %dma_wait3A_369 : memref<32x1x1024xf32, #tpu.memory_space<hbm>> -> memref<32x1024xf32, #tpu.memory_space<hbm>>
    %dma_wait3A_371 = tpu.memref_slice %arg8[%dma_wait3A_363] : memref<3x!tpu.dma_semaphore, #tpu.memory_space<semaphore_mem>> -> memref<1x!tpu.dma_semaphore, #tpu.memory_space<semaphore_mem>>
    %dma_wait3A_372 = tpu.memref_squeeze %dma_wait3A_371 : memref<1x!tpu.dma_semaphore, #tpu.memory_space<semaphore_mem>> -> memref<!tpu.dma_semaphore, #tpu.memory_space<semaphore_mem>>
    %dma_wait3A_373 = arith.constant 0 : i32
    %dma_wait3A_374 = tpu.memref_slice %arg4[%add3A_360, %dma_wait3A_362, %dma_wait3A_373] : memref<8192x1x1024xf32, #tpu.memory_space<hbm>> -> memref<32x1x1024xf32, #tpu.memory_space<hbm>>
    %dma_wait3A_375 = tpu.memref_squeeze %dma_wait3A_374 : memref<32x1x1024xf32, #tpu.memory_space<hbm>> -> memref<32x1024xf32, #tpu.memory_space<hbm>>
    %dma_wait3A_376 = arith.constant 0 : i32
    %dma_wait3A_377 = arith.constant 0 : i32
    %dma_wait3A_378 = tpu.memref_slice %arg6[%dma_wait3A_361, %dma_wait3A_376, %dma_wait3A_377] : memref<3x32x1024xf32, #tpu.memory_space<vmem>> -> memref<1x32x1024xf32, #tpu.memory_space<vmem>>
    %dma_wait3A_379 = tpu.memref_squeeze %dma_wait3A_378 : memref<1x32x1024xf32, #tpu.memory_space<vmem>> -> memref<32x1024xf32, #tpu.memory_space<vmem>>
    tpu.wait_dma2 semaphore(%dma_wait3A_372 : memref<!tpu.dma_semaphore, #tpu.memory_space<semaphore_mem>>) src(%dma_wait3A_379 : memref<32x1024xf32, #tpu.memory_space<vmem>>) dst(%dma_wait3A_375 : memref<32x1024xf32, #tpu.memory_space<hbm>>)
    %dma_start3A_380 = arith.constant 1 : i32
    %dma_start3A_381 = arith.constant 1 : i32
    %dma_start3A_382 = arith.constant 0 : i32
    %dma_start3A_383 = arith.constant 0 : i32
    %dma_start3A_384 = tpu.memref_slice %arg6[%dma_start3A_380, %dma_start3A_382, %dma_start3A_383] : memref<3x32x1024xf32, #tpu.memory_space<vmem>> -> memref<1x32x1024xf32, #tpu.memory_space<vmem>>
    %dma_start3A_385 = tpu.memref_squeeze %dma_start3A_384 : memref<1x32x1024xf32, #tpu.memory_space<vmem>> -> memref<32x1024xf32, #tpu.memory_space<vmem>>
    %dma_start3A_386 = arith.constant 224 : i32
    %dma_start3A_387 = tpu.memref_slice %arg5[%dma_start3A_386] : memref<256xi32, #tpu.memory_space<vmem>> -> memref<32xi32, #tpu.memory_space<vmem>>
    %dma_start3A_388 = arith.constant 0 : i32
    %dma_start3A_389 = arith.constant 0 : i32
    %dma_start3A_390 = tpu.memref_slice %arg3[%dma_start3A_388, %dma_start3A_389] : memref<8192x1024xf32, #tpu.memory_space<hbm>> -> memref<8192x1024xf32, #tpu.memory_space<hbm>>
    %dma_start3A_391 = tpu.memref_slice %arg7[%dma_start3A_381] : memref<3x!tpu.dma_semaphore, #tpu.memory_space<semaphore_mem>> -> memref<1x!tpu.dma_semaphore, #tpu.memory_space<semaphore_mem>>
    %dma_start3A_392 = tpu.memref_squeeze %dma_start3A_391 : memref<1x!tpu.dma_semaphore, #tpu.memory_space<semaphore_mem>> -> memref<!tpu.dma_semaphore, #tpu.memory_space<semaphore_mem>>
    tpu.enqueue_indirect_dma source(%dma_start3A_390 : memref<8192x1024xf32, #tpu.memory_space<hbm>>) target(%dma_start3A_385 : memref<32x1024xf32, #tpu.memory_space<vmem>>) offsets(%dma_start3A_387 : memref<32xi32, #tpu.memory_space<vmem>>) semaphore(%dma_start3A_392 : memref<!tpu.dma_semaphore, #tpu.memory_space<semaphore_mem>>)
    %add3A_393 = arith.constant 160 : i32
    %add3A_394 = arith.addi %mul3A_2, %add3A_393 : i32
    %dma_start3A_395 = arith.constant 2 : i32
    %dma_start3A_396 = arith.constant 0 : i32
    %dma_start3A_397 = arith.constant 2 : i32
    %dma_start3A_398 = arith.constant 0 : i32
    %dma_start3A_399 = arith.constant 0 : i32
    %dma_start3A_400 = tpu.memref_slice %arg6[%dma_start3A_395, %dma_start3A_398, %dma_start3A_399] : memref<3x32x1024xf32, #tpu.memory_space<vmem>> -> memref<1x32x1024xf32, #tpu.memory_space<vmem>>
    %dma_start3A_401 = tpu.memref_squeeze %dma_start3A_400 : memref<1x32x1024xf32, #tpu.memory_space<vmem>> -> memref<32x1024xf32, #tpu.memory_space<vmem>>
    %dma_start3A_402 = arith.constant 0 : i32
    %dma_start3A_403 = tpu.memref_slice %arg4[%add3A_394, %dma_start3A_396, %dma_start3A_402] : memref<8192x1x1024xf32, #tpu.memory_space<hbm>> -> memref<32x1x1024xf32, #tpu.memory_space<hbm>>
    %dma_start3A_404 = tpu.memref_squeeze %dma_start3A_403 : memref<32x1x1024xf32, #tpu.memory_space<hbm>> -> memref<32x1024xf32, #tpu.memory_space<hbm>>
    %dma_start3A_405 = tpu.memref_slice %arg8[%dma_start3A_397] : memref<3x!tpu.dma_semaphore, #tpu.memory_space<semaphore_mem>> -> memref<1x!tpu.dma_semaphore, #tpu.memory_space<semaphore_mem>>
    %dma_start3A_406 = tpu.memref_squeeze %dma_start3A_405 : memref<1x!tpu.dma_semaphore, #tpu.memory_space<semaphore_mem>> -> memref<!tpu.dma_semaphore, #tpu.memory_space<semaphore_mem>>
    %dma_start3A_407 = arith.constant 0 : i32
    %dma_start3A_408 = tpu.memref_slice %arg4[%add3A_394, %dma_start3A_396, %dma_start3A_407] : memref<8192x1x1024xf32, #tpu.memory_space<hbm>> -> memref<32x1x1024xf32, #tpu.memory_space<hbm>>
    %dma_start3A_409 = tpu.memref_squeeze %dma_start3A_408 : memref<32x1x1024xf32, #tpu.memory_space<hbm>> -> memref<32x1024xf32, #tpu.memory_space<hbm>>
    %dma_start3A_410 = arith.constant 0 : i32
    %dma_start3A_411 = arith.constant 0 : i32
    %dma_start3A_412 = tpu.memref_slice %arg6[%dma_start3A_395, %dma_start3A_410, %dma_start3A_411] : memref<3x32x1024xf32, #tpu.memory_space<vmem>> -> memref<1x32x1024xf32, #tpu.memory_space<vmem>>
    %dma_start3A_413 = tpu.memref_squeeze %dma_start3A_412 : memref<1x32x1024xf32, #tpu.memory_space<vmem>> -> memref<32x1024xf32, #tpu.memory_space<vmem>>
    tpu.enqueue_dma source(%dma_start3A_413 : memref<32x1024xf32, #tpu.memory_space<vmem>>) target(%dma_start3A_409 : memref<32x1024xf32, #tpu.memory_space<hbm>>) target_semaphore(%dma_start3A_406 : memref<!tpu.dma_semaphore, #tpu.memory_space<semaphore_mem>>)
    %dma_wait3A_414 = arith.constant 0 : i32
    %dma_wait3A_415 = arith.constant 0 : i32
    %dma_wait3A_416 = arith.constant 0 : i32
    %dma_wait3A_417 = arith.constant 0 : i32
    %dma_wait3A_418 = tpu.memref_slice %arg6[%dma_wait3A_414, %dma_wait3A_416, %dma_wait3A_417] : memref<3x32x1024xf32, #tpu.memory_space<vmem>> -> memref<1x32x1024xf32, #tpu.memory_space<vmem>>
    %dma_wait3A_419 = tpu.memref_squeeze %dma_wait3A_418 : memref<1x32x1024xf32, #tpu.memory_space<vmem>> -> memref<32x1024xf32, #tpu.memory_space<vmem>>
    %dma_wait3A_420 = arith.constant 192 : i32
    %dma_wait3A_421 = tpu.memref_slice %arg5[%dma_wait3A_420] : memref<256xi32, #tpu.memory_space<vmem>> -> memref<32xi32, #tpu.memory_space<vmem>>
    %dma_wait3A_422 = arith.constant 0 : i32
    %dma_wait3A_423 = arith.constant 0 : i32
    %dma_wait3A_424 = tpu.memref_slice %arg3[%dma_wait3A_422, %dma_wait3A_423] : memref<8192x1024xf32, #tpu.memory_space<hbm>> -> memref<8192x1024xf32, #tpu.memory_space<hbm>>
    %dma_wait3A_425 = tpu.memref_slice %arg7[%dma_wait3A_415] : memref<3x!tpu.dma_semaphore, #tpu.memory_space<semaphore_mem>> -> memref<1x!tpu.dma_semaphore, #tpu.memory_space<semaphore_mem>>
    %dma_wait3A_426 = tpu.memref_squeeze %dma_wait3A_425 : memref<1x!tpu.dma_semaphore, #tpu.memory_space<semaphore_mem>> -> memref<!tpu.dma_semaphore, #tpu.memory_space<semaphore_mem>>
    tpu.wait_indirect_dma semaphore(%dma_wait3A_426 : memref<!tpu.dma_semaphore, #tpu.memory_space<semaphore_mem>>) src(%dma_wait3A_424 : memref<8192x1024xf32, #tpu.memory_space<hbm>>) dst(%dma_wait3A_419 : memref<32x1024xf32, #tpu.memory_space<vmem>>)
    %add3A_427 = arith.constant 192 : i32
    %add3A_428 = arith.addi %mul3A_2, %add3A_427 : i32
    %dma_start3A_429 = arith.constant 0 : i32
    %dma_start3A_430 = arith.constant 0 : i32
    %dma_start3A_431 = arith.constant 0 : i32
    %dma_start3A_432 = arith.constant 0 : i32
    %dma_start3A_433 = arith.constant 0 : i32
    %dma_start3A_434 = tpu.memref_slice %arg6[%dma_start3A_429, %dma_start3A_432, %dma_start3A_433] : memref<3x32x1024xf32, #tpu.memory_space<vmem>> -> memref<1x32x1024xf32, #tpu.memory_space<vmem>>
    %dma_start3A_435 = tpu.memref_squeeze %dma_start3A_434 : memref<1x32x1024xf32, #tpu.memory_space<vmem>> -> memref<32x1024xf32, #tpu.memory_space<vmem>>
    %dma_start3A_436 = arith.constant 0 : i32
    %dma_start3A_437 = tpu.memref_slice %arg4[%add3A_428, %dma_start3A_430, %dma_start3A_436] : memref<8192x1x1024xf32, #tpu.memory_space<hbm>> -> memref<32x1x1024xf32, #tpu.memory_space<hbm>>
    %dma_start3A_438 = tpu.memref_squeeze %dma_start3A_437 : memref<32x1x1024xf32, #tpu.memory_space<hbm>> -> memref<32x1024xf32, #tpu.memory_space<hbm>>
    %dma_start3A_439 = tpu.memref_slice %arg8[%dma_start3A_431] : memref<3x!tpu.dma_semaphore, #tpu.memory_space<semaphore_mem>> -> memref<1x!tpu.dma_semaphore, #tpu.memory_space<semaphore_mem>>
    %dma_start3A_440 = tpu.memref_squeeze %dma_start3A_439 : memref<1x!tpu.dma_semaphore, #tpu.memory_space<semaphore_mem>> -> memref<!tpu.dma_semaphore, #tpu.memory_space<semaphore_mem>>
    %dma_start3A_441 = arith.constant 0 : i32
    %dma_start3A_442 = tpu.memref_slice %arg4[%add3A_428, %dma_start3A_430, %dma_start3A_441] : memref<8192x1x1024xf32, #tpu.memory_space<hbm>> -> memref<32x1x1024xf32, #tpu.memory_space<hbm>>
    %dma_start3A_443 = tpu.memref_squeeze %dma_start3A_442 : memref<32x1x1024xf32, #tpu.memory_space<hbm>> -> memref<32x1024xf32, #tpu.memory_space<hbm>>
    %dma_start3A_444 = arith.constant 0 : i32
    %dma_start3A_445 = arith.constant 0 : i32
    %dma_start3A_446 = tpu.memref_slice %arg6[%dma_start3A_429, %dma_start3A_444, %dma_start3A_445] : memref<3x32x1024xf32, #tpu.memory_space<vmem>> -> memref<1x32x1024xf32, #tpu.memory_space<vmem>>
    %dma_start3A_447 = tpu.memref_squeeze %dma_start3A_446 : memref<1x32x1024xf32, #tpu.memory_space<vmem>> -> memref<32x1024xf32, #tpu.memory_space<vmem>>
    tpu.enqueue_dma source(%dma_start3A_447 : memref<32x1024xf32, #tpu.memory_space<vmem>>) target(%dma_start3A_443 : memref<32x1024xf32, #tpu.memory_space<hbm>>) target_semaphore(%dma_start3A_440 : memref<!tpu.dma_semaphore, #tpu.memory_space<semaphore_mem>>)
    %dma_wait3A_448 = arith.constant 1 : i32
    %dma_wait3A_449 = arith.constant 1 : i32
    %dma_wait3A_450 = arith.constant 0 : i32
    %dma_wait3A_451 = arith.constant 0 : i32
    %dma_wait3A_452 = tpu.memref_slice %arg6[%dma_wait3A_448, %dma_wait3A_450, %dma_wait3A_451] : memref<3x32x1024xf32, #tpu.memory_space<vmem>> -> memref<1x32x1024xf32, #tpu.memory_space<vmem>>
    %dma_wait3A_453 = tpu.memref_squeeze %dma_wait3A_452 : memref<1x32x1024xf32, #tpu.memory_space<vmem>> -> memref<32x1024xf32, #tpu.memory_space<vmem>>
    %dma_wait3A_454 = arith.constant 224 : i32
    %dma_wait3A_455 = tpu.memref_slice %arg5[%dma_wait3A_454] : memref<256xi32, #tpu.memory_space<vmem>> -> memref<32xi32, #tpu.memory_space<vmem>>
    %dma_wait3A_456 = arith.constant 0 : i32
    %dma_wait3A_457 = arith.constant 0 : i32
    %dma_wait3A_458 = tpu.memref_slice %arg3[%dma_wait3A_456, %dma_wait3A_457] : memref<8192x1024xf32, #tpu.memory_space<hbm>> -> memref<8192x1024xf32, #tpu.memory_space<hbm>>
    %dma_wait3A_459 = tpu.memref_slice %arg7[%dma_wait3A_449] : memref<3x!tpu.dma_semaphore, #tpu.memory_space<semaphore_mem>> -> memref<1x!tpu.dma_semaphore, #tpu.memory_space<semaphore_mem>>
    %dma_wait3A_460 = tpu.memref_squeeze %dma_wait3A_459 : memref<1x!tpu.dma_semaphore, #tpu.memory_space<semaphore_mem>> -> memref<!tpu.dma_semaphore, #tpu.memory_space<semaphore_mem>>
    tpu.wait_indirect_dma semaphore(%dma_wait3A_460 : memref<!tpu.dma_semaphore, #tpu.memory_space<semaphore_mem>>) src(%dma_wait3A_458 : memref<8192x1024xf32, #tpu.memory_space<hbm>>) dst(%dma_wait3A_453 : memref<32x1024xf32, #tpu.memory_space<vmem>>)
    %add3A_461 = arith.constant 224 : i32
    %add3A_462 = arith.addi %mul3A_2, %add3A_461 : i32
    %dma_start3A_463 = arith.constant 1 : i32
    %dma_start3A_464 = arith.constant 0 : i32
    %dma_start3A_465 = arith.constant 1 : i32
    %dma_start3A_466 = arith.constant 0 : i32
    %dma_start3A_467 = arith.constant 0 : i32
    %dma_start3A_468 = tpu.memref_slice %arg6[%dma_start3A_463, %dma_start3A_466, %dma_start3A_467] : memref<3x32x1024xf32, #tpu.memory_space<vmem>> -> memref<1x32x1024xf32, #tpu.memory_space<vmem>>
    %dma_start3A_469 = tpu.memref_squeeze %dma_start3A_468 : memref<1x32x1024xf32, #tpu.memory_space<vmem>> -> memref<32x1024xf32, #tpu.memory_space<vmem>>
    %dma_start3A_470 = arith.constant 0 : i32
    %dma_start3A_471 = tpu.memref_slice %arg4[%add3A_462, %dma_start3A_464, %dma_start3A_470] : memref<8192x1x1024xf32, #tpu.memory_space<hbm>> -> memref<32x1x1024xf32, #tpu.memory_space<hbm>>
    %dma_start3A_472 = tpu.memref_squeeze %dma_start3A_471 : memref<32x1x1024xf32, #tpu.memory_space<hbm>> -> memref<32x1024xf32, #tpu.memory_space<hbm>>
    %dma_start3A_473 = tpu.memref_slice %arg8[%dma_start3A_465] : memref<3x!tpu.dma_semaphore, #tpu.memory_space<semaphore_mem>> -> memref<1x!tpu.dma_semaphore, #tpu.memory_space<semaphore_mem>>
    %dma_start3A_474 = tpu.memref_squeeze %dma_start3A_473 : memref<1x!tpu.dma_semaphore, #tpu.memory_space<semaphore_mem>> -> memref<!tpu.dma_semaphore, #tpu.memory_space<semaphore_mem>>
    %dma_start3A_475 = arith.constant 0 : i32
    %dma_start3A_476 = tpu.memref_slice %arg4[%add3A_462, %dma_start3A_464, %dma_start3A_475] : memref<8192x1x1024xf32, #tpu.memory_space<hbm>> -> memref<32x1x1024xf32, #tpu.memory_space<hbm>>
    %dma_start3A_477 = tpu.memref_squeeze %dma_start3A_476 : memref<32x1x1024xf32, #tpu.memory_space<hbm>> -> memref<32x1024xf32, #tpu.memory_space<hbm>>
    %dma_start3A_478 = arith.constant 0 : i32
    %dma_start3A_479 = arith.constant 0 : i32
    %dma_start3A_480 = tpu.memref_slice %arg6[%dma_start3A_463, %dma_start3A_478, %dma_start3A_479] : memref<3x32x1024xf32, #tpu.memory_space<vmem>> -> memref<1x32x1024xf32, #tpu.memory_space<vmem>>
    %dma_start3A_481 = tpu.memref_squeeze %dma_start3A_480 : memref<1x32x1024xf32, #tpu.memory_space<vmem>> -> memref<32x1024xf32, #tpu.memory_space<vmem>>
    tpu.enqueue_dma source(%dma_start3A_481 : memref<32x1024xf32, #tpu.memory_space<vmem>>) target(%dma_start3A_477 : memref<32x1024xf32, #tpu.memory_space<hbm>>) target_semaphore(%dma_start3A_474 : memref<!tpu.dma_semaphore, #tpu.memory_space<semaphore_mem>>)
    %add3A_482 = arith.constant 160 : i32
    %add3A_483 = arith.addi %mul3A_2, %add3A_482 : i32
    %dma_wait3A_484 = arith.constant 2 : i32
    %dma_wait3A_485 = arith.constant 0 : i32
    %dma_wait3A_486 = arith.constant 2 : i32
    %dma_wait3A_487 = arith.constant 0 : i32
    %dma_wait3A_488 = arith.constant 0 : i32
    %dma_wait3A_489 = tpu.memref_slice %arg6[%dma_wait3A_484, %dma_wait3A_487, %dma_wait3A_488] : memref<3x32x1024xf32, #tpu.memory_space<vmem>> -> memref<1x32x1024xf32, #tpu.memory_space<vmem>>
    %dma_wait3A_490 = tpu.memref_squeeze %dma_wait3A_489 : memref<1x32x1024xf32, #tpu.memory_space<vmem>> -> memref<32x1024xf32, #tpu.memory_space<vmem>>
    %dma_wait3A_491 = arith.constant 0 : i32
    %dma_wait3A_492 = tpu.memref_slice %arg4[%add3A_483, %dma_wait3A_485, %dma_wait3A_491] : memref<8192x1x1024xf32, #tpu.memory_space<hbm>> -> memref<32x1x1024xf32, #tpu.memory_space<hbm>>
    %dma_wait3A_493 = tpu.memref_squeeze %dma_wait3A_492 : memref<32x1x1024xf32, #tpu.memory_space<hbm>> -> memref<32x1024xf32, #tpu.memory_space<hbm>>
    %dma_wait3A_494 = tpu.memref_slice %arg8[%dma_wait3A_486] : memref<3x!tpu.dma_semaphore, #tpu.memory_space<semaphore_mem>> -> memref<1x!tpu.dma_semaphore, #tpu.memory_space<semaphore_mem>>
    %dma_wait3A_495 = tpu.memref_squeeze %dma_wait3A_494 : memref<1x!tpu.dma_semaphore, #tpu.memory_space<semaphore_mem>> -> memref<!tpu.dma_semaphore, #tpu.memory_space<semaphore_mem>>
    %dma_wait3A_496 = arith.constant 0 : i32
    %dma_wait3A_497 = tpu.memref_slice %arg4[%add3A_483, %dma_wait3A_485, %dma_wait3A_496] : memref<8192x1x1024xf32, #tpu.memory_space<hbm>> -> memref<32x1x1024xf32, #tpu.memory_space<hbm>>
    %dma_wait3A_498 = tpu.memref_squeeze %dma_wait3A_497 : memref<32x1x1024xf32, #tpu.memory_space<hbm>> -> memref<32x1024xf32, #tpu.memory_space<hbm>>
    %dma_wait3A_499 = arith.constant 0 : i32
    %dma_wait3A_500 = arith.constant 0 : i32
    %dma_wait3A_501 = tpu.memref_slice %arg6[%dma_wait3A_484, %dma_wait3A_499, %dma_wait3A_500] : memref<3x32x1024xf32, #tpu.memory_space<vmem>> -> memref<1x32x1024xf32, #tpu.memory_space<vmem>>
    %dma_wait3A_502 = tpu.memref_squeeze %dma_wait3A_501 : memref<1x32x1024xf32, #tpu.memory_space<vmem>> -> memref<32x1024xf32, #tpu.memory_space<vmem>>
    tpu.wait_dma2 semaphore(%dma_wait3A_495 : memref<!tpu.dma_semaphore, #tpu.memory_space<semaphore_mem>>) src(%dma_wait3A_502 : memref<32x1024xf32, #tpu.memory_space<vmem>>) dst(%dma_wait3A_498 : memref<32x1024xf32, #tpu.memory_space<hbm>>)
    %add3A_503 = arith.constant 192 : i32
    %add3A_504 = arith.addi %mul3A_2, %add3A_503 : i32
    %dma_wait3A_505 = arith.constant 0 : i32
    %dma_wait3A_506 = arith.constant 0 : i32
    %dma_wait3A_507 = arith.constant 0 : i32
    %dma_wait3A_508 = arith.constant 0 : i32
    %dma_wait3A_509 = arith.constant 0 : i32
    %dma_wait3A_510 = tpu.memref_slice %arg6[%dma_wait3A_505, %dma_wait3A_508, %dma_wait3A_509] : memref<3x32x1024xf32, #tpu.memory_space<vmem>> -> memref<1x32x1024xf32, #tpu.memory_space<vmem>>
    %dma_wait3A_511 = tpu.memref_squeeze %dma_wait3A_510 : memref<1x32x1024xf32, #tpu.memory_space<vmem>> -> memref<32x1024xf32, #tpu.memory_space<vmem>>
    %dma_wait3A_512 = arith.constant 0 : i32
    %dma_wait3A_513 = tpu.memref_slice %arg4[%add3A_504, %dma_wait3A_506, %dma_wait3A_512] : memref<8192x1x1024xf32, #tpu.memory_space<hbm>> -> memref<32x1x1024xf32, #tpu.memory_space<hbm>>
    %dma_wait3A_514 = tpu.memref_squeeze %dma_wait3A_513 : memref<32x1x1024xf32, #tpu.memory_space<hbm>> -> memref<32x1024xf32, #tpu.memory_space<hbm>>
    %dma_wait3A_515 = tpu.memref_slice %arg8[%dma_wait3A_507] : memref<3x!tpu.dma_semaphore, #tpu.memory_space<semaphore_mem>> -> memref<1x!tpu.dma_semaphore, #tpu.memory_space<semaphore_mem>>
    %dma_wait3A_516 = tpu.memref_squeeze %dma_wait3A_515 : memref<1x!tpu.dma_semaphore, #tpu.memory_space<semaphore_mem>> -> memref<!tpu.dma_semaphore, #tpu.memory_space<semaphore_mem>>
    %dma_wait3A_517 = arith.constant 0 : i32
    %dma_wait3A_518 = tpu.memref_slice %arg4[%add3A_504, %dma_wait3A_506, %dma_wait3A_517] : memref<8192x1x1024xf32, #tpu.memory_space<hbm>> -> memref<32x1x1024xf32, #tpu.memory_space<hbm>>
    %dma_wait3A_519 = tpu.memref_squeeze %dma_wait3A_518 : memref<32x1x1024xf32, #tpu.memory_space<hbm>> -> memref<32x1024xf32, #tpu.memory_space<hbm>>
    %dma_wait3A_520 = arith.constant 0 : i32
    %dma_wait3A_521 = arith.constant 0 : i32
    %dma_wait3A_522 = tpu.memref_slice %arg6[%dma_wait3A_505, %dma_wait3A_520, %dma_wait3A_521] : memref<3x32x1024xf32, #tpu.memory_space<vmem>> -> memref<1x32x1024xf32, #tpu.memory_space<vmem>>
    %dma_wait3A_523 = tpu.memref_squeeze %dma_wait3A_522 : memref<1x32x1024xf32, #tpu.memory_space<vmem>> -> memref<32x1024xf32, #tpu.memory_space<vmem>>
    tpu.wait_dma2 semaphore(%dma_wait3A_516 : memref<!tpu.dma_semaphore, #tpu.memory_space<semaphore_mem>>) src(%dma_wait3A_523 : memref<32x1024xf32, #tpu.memory_space<vmem>>) dst(%dma_wait3A_519 : memref<32x1024xf32, #tpu.memory_space<hbm>>)
    %add3A_524 = arith.constant 224 : i32
    %add3A_525 = arith.addi %mul3A_2, %add3A_524 : i32
    %dma_wait3A_526 = arith.constant 1 : i32
    %dma_wait3A_527 = arith.constant 0 : i32
    %dma_wait3A_528 = arith.constant 1 : i32
    %dma_wait3A_529 = arith.constant 0 : i32
    %dma_wait3A_530 = arith.constant 0 : i32
    %dma_wait3A_531 = tpu.memref_slice %arg6[%dma_wait3A_526, %dma_wait3A_529, %dma_wait3A_530] : memref<3x32x1024xf32, #tpu.memory_space<vmem>> -> memref<1x32x1024xf32, #tpu.memory_space<vmem>>
    %dma_wait3A_532 = tpu.memref_squeeze %dma_wait3A_531 : memref<1x32x1024xf32, #tpu.memory_space<vmem>> -> memref<32x1024xf32, #tpu.memory_space<vmem>>
    %dma_wait3A_533 = arith.constant 0 : i32
    %dma_wait3A_534 = tpu.memref_slice %arg4[%add3A_525, %dma_wait3A_527, %dma_wait3A_533] : memref<8192x1x1024xf32, #tpu.memory_space<hbm>> -> memref<32x1x1024xf32, #tpu.memory_space<hbm>>
    %dma_wait3A_535 = tpu.memref_squeeze %dma_wait3A_534 : memref<32x1x1024xf32, #tpu.memory_space<hbm>> -> memref<32x1024xf32, #tpu.memory_space<hbm>>
    %dma_wait3A_536 = tpu.memref_slice %arg8[%dma_wait3A_528] : memref<3x!tpu.dma_semaphore, #tpu.memory_space<semaphore_mem>> -> memref<1x!tpu.dma_semaphore, #tpu.memory_space<semaphore_mem>>
    %dma_wait3A_537 = tpu.memref_squeeze %dma_wait3A_536 : memref<1x!tpu.dma_semaphore, #tpu.memory_space<semaphore_mem>> -> memref<!tpu.dma_semaphore, #tpu.memory_space<semaphore_mem>>
    %dma_wait3A_538 = arith.constant 0 : i32
    %dma_wait3A_539 = tpu.memref_slice %arg4[%add3A_525, %dma_wait3A_527, %dma_wait3A_538] : memref<8192x1x1024xf32, #tpu.memory_space<hbm>> -> memref<32x1x1024xf32, #tpu.memory_space<hbm>>
    %dma_wait3A_540 = tpu.memref_squeeze %dma_wait3A_539 : memref<32x1x1024xf32, #tpu.memory_space<hbm>> -> memref<32x1024xf32, #tpu.memory_space<hbm>>
    %dma_wait3A_541 = arith.constant 0 : i32
    %dma_wait3A_542 = arith.constant 0 : i32
    %dma_wait3A_543 = tpu.memref_slice %arg6[%dma_wait3A_526, %dma_wait3A_541, %dma_wait3A_542] : memref<3x32x1024xf32, #tpu.memory_space<vmem>> -> memref<1x32x1024xf32, #tpu.memory_space<vmem>>
    %dma_wait3A_544 = tpu.memref_squeeze %dma_wait3A_543 : memref<1x32x1024xf32, #tpu.memory_space<vmem>> -> memref<32x1024xf32, #tpu.memory_space<vmem>>
    tpu.wait_dma2 semaphore(%dma_wait3A_537 : memref<!tpu.dma_semaphore, #tpu.memory_space<semaphore_mem>>) src(%dma_wait3A_544 : memref<32x1024xf32, #tpu.memory_space<vmem>>) dst(%dma_wait3A_540 : memref<32x1024xf32, #tpu.memory_space<hbm>>)
    return
  }
}

</mosaic_0001>

<sc_bundles>
// kernel: _sc_gather.3.cloned.1.call-start
scs
__scs_entry_jumppad:
0x0: {  	(pc) =	sbr.rel $0x88, $3  }
0x1: {  	(tag) =	ssettag $0x0;
	lr =	simm.s32 $0x1  }
0x2: {  	[smem:$0x3F9F] =	sst lr;
	_ =	strace $0xD0000000  }
0x3: {  	_ = 	snop  }
0x4: {  	_ = 	snop  }
0x5: {  	_ = 	snop  }
0x6: {  	_ = 	snop  }
0x7: {  	_ = 	snop  }
__scs_overlays_trampoline_lowered:
0x8: {  	[smem:$0x3FAE] =	sst s0  }
0x9: {  	[smem:$0x3FAF] =	sst s1  }
0xa: {  	[smem:$0x3FB0] =	sst s2  }
0xb: {  	[smem:$0x3FB1] =	sst s3  }
0xc: {  	[smem:$0x3FB2] =	sst s4  }
0xd: {  	[smem:$0x3FB3] =	sst s5  }
0xe: {  	[smem:$0x3FB4] =	sst s6  }
0xf: {  	[smem:$0x3FB5] =	sst s7  }
0x10: {  	[smem:$0x3FB6] =	sst s8  }
0x11: {  	[smem:$0x3FB7] =	sst s9;
	s0 =	simm.s32 @!p0 $0x0  }
0x12: {  	s1 =	sld [smem:$0x3F9D];
	s0 =	simm.s32 @p0 $0x1  }
0x13: {  	[smem:$0x3FB8] =	sst s0;
	s0 =	simm.s32 @!p1 $0x0  }
0x14: {  	s2 =	sld [smem:$0x3F9C];
	s0 =	simm.s32 @p1 $0x1  }
0x15: {  	[smem:$0x3FB9] =	sst s0;
	s0 =	simm.s32 @!p2 $0x0  }
0x16: {  	s3 =	sld [smem:$0x3FDB];
	s0 =	simm.s32 @p2 $0x1  }
0x17: {  	s4 =	simm.s32 $0x1BF5;
	[smem:$0x3FBB] =	sst s0  }
0x18: {  	s0 =	sld [smem:$0x3F9E];
	_ =	swait.ge [sflag:s4], $0x0  }
0x19: {  	s7 =	sld [smem:$0x3F9F]  }
0x1a: {  	s8 =	sadd.s32 $0xFFFFE003, lr  }
0x1b: {  	s9 =	sadd.s32 $0xFFFFFEF7, lr;
	s5 =	simm.s32 $0xFFFFFFFF;
	p2 =	slt.u32 s8, $0xFFFFF086  }
0x1c: {  	p1 =	slt.u32 s9, $0xF7A;
	s5 =	simm.s32 @!p2 $0x0  }
0x1d: {  	s5 =	simm.s32 @p1 $0x1;
	p0 =	seq.s32 s7, s2  }
0x1e: {  	s7 =	smul.u32 @!p0 $0xF7A, s2;
	p2 =	seq.s32 @!p0 s5, $0x0  }
0x1f: {  	s9 =	smul.u32 $0xF7A, s1;
	s8 =	simm.s32 @!p0 $0x1BF5;
	p2 =	por !p2, p0  }
0x20: {  	[sflag:s8] =	ssyncset.s32 @!p0 $0xFFFFF086;
	s6 =	sadd.s32 @!p0 s3, s7;
	s7 =	simm.s32 @!p0 $0x108  }
0x21: {  	s3 =	sadd.s32 s3, s9;
	s6 =	sadd.s32 @!p0 $0x88, s6;
	s7 =	simm.s32 @p2 $0x1082  }
0x22: {  	[simem:s7], [sflag:s8] =	dma.local @!p0 [hbm:s6], $0xF7A  }
0x23: {  	s9 =	sor.u32 $0xD0000000, s2;
	s6 =	simm.s32 $0x108;
	_ =	swait.ge @!p0 [sflag:s8], $0x0  }
0x24: {  	s3 =	sadd.s32 $0x88, s3;
	s6 =	simm.s32 @!p1 $0x1082;
	[sflag:s4] =	ssyncset.s32 $0xFFFFF086  }
0x25: {  	[simem:s6], [sflag:s4] =	dma.local [hbm:s3], $0xF7A  }
0x26: {  	[smem:$0x3F9F] =	sst s1;
	(tag) =	ssettag s2;
	_ =	strace s9  }
0x27: {  	s1 =	sld [smem:$0x3FAF]  }
0x28: {  	s2 =	sld [smem:$0x3FB0]  }
0x29: {  	s4 =	sld [smem:$0x3FB2]  }
0x2a: {  	p0 =	seq.s32 s5, $0x0;
	s5 =	sld [smem:$0x3FB3]  }
0x2b: {  	s6 =	sld [smem:$0x3FB4]  }
0x2c: {  	s7 =	sld [smem:$0x3FB5]  }
0x2d: {  	s3 =	simm.s32 $0x108;
	s8 =	sld [smem:$0x3FB6]  }
0x2e: {  	s3 =	simm.s32 @!p0 $0x1082;
	s9 =	sld [smem:$0x3FB7]  }
0x2f: {  	lr =	sadd.s32 s0, s3;
	s0 =	sld [smem:$0x3FAE]  }
0x30: {  	s3 =	sld [smem:$0x3FB1]  }
0x31: {  	[smem:$0x3FBA] =	sst s10  }
0x32: {  	s10 =	sld [smem:$0x3FB8];
	_ =	sdelay $0x3  }
0x33: {  	p0 =	seq.s32 s10, $0x1;
	s10 =	sld [smem:$0x3FBA];
	_ =	sdelay $0x3  }
0x34: {  	[smem:$0x3FBA] =	sst s10  }
0x35: {  	s10 =	sld [smem:$0x3FB9];
	_ =	sdelay $0x3  }
0x36: {  	p1 =	seq.s32 s10, $0x1;
	s10 =	sld [smem:$0x3FBA];
	_ =	sdelay $0x3  }
0x37: {  	[smem:$0x3FBA] =	sst s10  }
0x38: {  	s10 =	sld [smem:$0x3FBB]  }
0x39: {  	_ = 	snop;
	(pc) =	sbr.ind lr, $3  }
0x3a: {  	_ = 	snop  }
0x3b: {  	_ = 	snop  }
0x3c: {  	p2 =	seq.s32 s10, $0x1;
	s10 =	sld [smem:$0x3FBA]  }
0x3d: {  	_ =	shalt  }
0x3e: {  	_ =	shalt  }
0x3f: {  	_ =	shalt  }
0x40: {  	_ =	shalt  }
0x41: {  	_ =	shalt  }
0x42: {  	_ =	shalt  }
0x43: {  	_ =	shalt  }
0x44: {  	_ =	shalt  }
0x45: {  	_ =	shalt  }
0x46: {  	_ =	shalt  }
0x47: {  	_ =	shalt  }
0x48: {  	_ =	shalt  }
0x49: {  	_ =	shalt  }
0x4a: {  	_ =	shalt  }
0x4b: {  	_ =	shalt  }
0x4c: {  	_ =	shalt  }
0x4d: {  	_ =	shalt  }
0x4e: {  	_ =	shalt  }
0x4f: {  	_ =	shalt  }
0x50: {  	_ =	shalt  }
0x51: {  	_ =	shalt  }
0x52: {  	_ =	shalt  }
0x53: {  	_ =	shalt  }
0x54: {  	_ =	shalt  }
0x55: {  	_ =	shalt  }
0x56: {  	_ =	shalt  }
0x57: {  	_ =	shalt  }
0x58: {  	_ =	shalt  }
0x59: {  	_ =	shalt  }
0x5a: {  	_ =	shalt  }
0x5b: {  	_ =	shalt  }
0x5c: {  	_ =	shalt  }
0x5d: {  	_ =	shalt  }
0x5e: {  	_ =	shalt  }
0x5f: {  	_ =	shalt  }
0x60: {  	_ =	shalt  }
0x61: {  	_ =	shalt  }
0x62: {  	_ =	shalt  }
0x63: {  	_ =	shalt  }
0x64: {  	_ =	shalt  }
0x65: {  	_ =	shalt  }
0x66: {  	_ =	shalt  }
0x67: {  	_ =	shalt  }
0x68: {  	_ =	shalt  }
0x69: {  	_ =	shalt  }
0x6a: {  	_ =	shalt  }
0x6b: {  	_ =	shalt  }
0x6c: {  	_ =	shalt  }
0x6d: {  	_ =	shalt  }
0x6e: {  	_ =	shalt  }
0x6f: {  	_ =	shalt  }
0x70: {  	_ =	shalt  }
0x71: {  	_ =	shalt  }
0x72: {  	_ =	shalt  }
0x73: {  	_ =	shalt  }
0x74: {  	_ =	shalt  }
0x75: {  	_ =	shalt  }
0x76: {  	_ =	shalt  }
0x77: {  	_ =	shalt  }
0x78: {  	_ =	shalt  }
0x79: {  	_ =	shalt  }
0x7a: {  	_ =	shalt  }
0x7b: {  	_ =	shalt  }
0x7c: {  	_ =	shalt  }
0x7d: {  	_ =	shalt  }
0x7e: {  	_ =	shalt  }
0x7f: {  	_ =	shalt  }
0x80: {  	_ =	shalt  }
0x81: {  	_ =	shalt  }
0x82: {  	_ =	shalt  }
0x83: {  	_ =	shalt  }
0x84: {  	_ =	shalt  }
0x85: {  	_ =	shalt  }
0x86: {  	_ =	shalt  }
0x87: {  	_ =	shalt  }
.Lfunc_end0:
.L_simem_size_0:
called_computation_lowered:
.L_overlay_start_0:
0x88: {  	s2 =	sld [smem:$0x3FD9]  }
0x89: {  	s3 =	sld [smem:$0x3FFE];
	_ =	sdelay $0x1  }
0x8a: {  	s1 =	srdreg.scid  }
0x8b: {  	s0 =	sand.u32 $0x1, s1  }
0x8c: {  	s18 =	sshll.u32 s0, $0xA;
	s2 =	sadd.s32 s3, s2  }
0x8d: {  	s2 =	sadd.s32 s2, s18  }
0x8e: {  	[smem:$0x3FC6] =	sst s2  }
0x8f: {  	_ = 	snop  }
0x90: {  	s2 =	sld [smem:$0x3FC9]  }
0x91: {  	s19 =	sld [smem:$0x3FC8]  }
0x92: {  	s4 =	sld [smem:$0x3FD0];
	(tm) =	ssettm $0x1  }
0x93: {  	s5 =	sld [smem:$0x3FFB];
	_ =	sdelay $0x3  }
0x94: {  	_ =	strace s5  }
0x95: {  	s5 =	sld [smem:$0x3FFC];
	_ =	sdelay $0x3  }
0x96: {  	_ =	strace s5  }
0x97: {  	s5 =	sld [smem:$0x3FFD];
	_ =	sdelay $0x3  }
0x98: {  	_ =	strace s5  }
0x99: {  	_ =	strace $0x8FFFFFFF  }
0x9a: {  	s20 =	sld [smem:$0x3FDB];
	_ =	sdelay $0x1  }
0x9b: {  	s6 =	simm.s32 $_scs_section_size  }
0x9c: {  	s7 =	simm.s32 $_size__tile_overlayer_lowered;
	s8 =	simm.s32 $_tile_overlayer_lowered  }
0x9d: {  	s23 =	simm.s32 $0x1BFF;
	s22 =	sshll.u32 s8, $0x1;
	s5 =	sadd.s32 s6, s20  }
0x9e: {  	s9 =	simm.s32 $0x0;
	s21 =	sshll.u32 s7, $0x1;
	s7 =	sadd.s32 s22, s5  }
0x9f: {  	[timem:s9], [sflag:s23] =	dma.local [hbm:s7], s21  }
0xa0: {  	_ =	swait.ge [sflag:s23], s21  }
0xa1: {  	s6 =	ssub.s32 $0x0, s21;
	[sflag:s23] =	ssyncset.done $0x0  }
0xa2: {  	[sflag:s23] =	ssyncadd.s32 s6;
	_ =	sdelay $0x1  }
0xa3: {  	s24 =	simm.s32 $0x1B8B  }
0xa4: {  	_ =	swait.ge [sflag:s24], $0x1  }
0xa5: {  	[sflag:s24] =	ssyncset.done $0x0  }
0xa6: {  	s25 =	simm.s32 $0x1B8E;
	[sflag:s24] =	ssyncadd.s32 $0xFFFFFFFF  }
0xa7: {  	s26 =	simm.s32 $execute0_lowered;
	[smem:$0x3FD2] =	sst s25  }
0xa8: {  	s6 =	sshll.u32 s26, $0x1;
	_ =	strace $0x80000046;
	[dreg:$0x1] =	wrdreg $0xFFFFFFFF  }
0xa9: {  	s28 =	simm.s32 $_size_execute0_lowered;
	s5 =	sadd.s32 s5, s6;
	[dreg:$0x0] =	wrdreg $0x0  }
0xaa: {  	s6 =	sshll.u32 s28, $0x1;
	[dreg:$0x2] =	wrdreg s5  }
0xab: {  	[dreg:$0x3] =	wrdreg s6  }
0xac: {  	[dreg:$0x4] =	wrdreg $0xC0  }
0xad: {  	_ =	task [dreg:s9], $0x5FFFF  }
0xae: {  	[dreg:$0x1] =	wrdreg $0xFFFFFFFF  }
0xaf: {  	[dreg:$0x0] =	wrdreg $0x60  }
0xb0: {  	[dreg:$0x2] =	wrdreg s2  }
0xb1: {  	[dreg:$0x3] =	wrdreg s19  }
0xb2: {  	[dreg:$0x4] =	wrdreg s4  }
0xb3: {  	[dreg:$0x5] =	wrdreg $0x9  }
0xb4: {  	_ =	task.clear_ibuf [dreg:s9], $0x6FFFF;
	_ =	strace $0x90000046  }
0xb5: {  	s29 =	simm.s32 $0x9;
	_ =	strace $0x80000048  }
0xb6: {  	_ =	swait.ge [sflag:s29], $0x1  }
0xb7: {  	[sflag:s29] =	ssyncadd.s32 $0xFFFFFFFF  }
0xb8: {  	_ =	strace $0x90000048  }
0xb9: {  	_ =	sfence  }
0xba: {  	s30 =	sld [smem:$0x0];
	_ =	sdelay $0x2  }
0xbb: {  	s31 =	sshll.u32 s1, $0xD;
	s1 =	sshrl.u32 s1, $0x2  }
0xbc: {  	s3 =	sand.u32 $0x4000, s31;
	s1 =	sadd.s32 s1, s30  }
0xbd: {  	s0 =	sor.u32 s3, s0;
	s1 =	sshll.u32 s1, $0x11  }
0xbe: {  	s0 =	sor.u32 s1, s0  }
0xbf: {  	s0 =	sadd.s32 $0x8F2B, s0  }
0xc0: {  	[sflag:s0] =	ssyncadd.remote.s32 $0x1  }
0xc1: {  	_ =	sfence.sel $0xFFFF  }
0xc2: {  	[dreg:$0x0] =	wrdreg $0xFFFFFFFF;
	(pc) =	sbr.abs _section_cstart, $3  }
0xc3: {  	[dreg:$0x1] =	wrdreg $0xFFFFFFFF  }
0xc4: {  	_ =	task.clear_ibuf [dreg:s9], $0x2FFFF;
	_ =	strace $0x9FFFFFFF  }
0xc5: {  	(tm) =	ssettm $0x7FFFFFFF  }
tec
execute0_lowered:
.L_overlay_start_1:
0x0: {  	(tag) =	ssettag $0x1  }
0x1: {  	s0 =	rddreg [dreg:$0x0]  }
0x2: {  	s1 =	rddreg [dreg:$0x1]  }
0x3: {  	s2 =	rddreg [dreg:$0x2];
	s4 =	srdreg.scid;
	s3 =	simm.s32 $0x0  }
0x4: {  	s6 =	stileid.u32;
	s30 =	simm.s32 $0xE900;
	s31 =	simm.s32 $0xF100  }
0x5: {  	s17 =	simm.s32 $0x2;
	s18 =	simm.s32 $0x4;
	s19 =	simm.s32 $0x3  }
0x6: {  	s20 =	simm.s32 $0x5;
	s21 =	simm.s32 $0x6;
	s22 =	simm.s32 $0x0  }
0x7: {  	s4 =	sand.u32 $0x1, s4;
	s6 =	sshll.u32 s6, $0x9;
	[smem:$0x7FF] =	sst s3  }
0x8: {  	s5 =	ssub.s32 $0x2, s4;
	s4 =	sshll.u32 s4, $0x8;
	_ =	strace $0x80000047  }
0x9: {  	s7 =	sshrl.u32 s5, $0x1;
	s4 =	sor.u32 s4, s6;
	s6 =	sadd.s32 $0x200, s1  }
0xa: {  	s16 =	ssub.s32 s5, s7;
	s26 =	sshrl.u32 s4, $0x3;
	s5 =	sadd.s32 $0x100, s1  }
0xb: {  	s28 =	sshll.u32 s4, $0x7;
	s7 =	sadd.s32 $0x300, s1;
	s4 =	simm.s32 $0x80  }
0xc: {  	s0 =	sadd.s32 s0, s26;
	s8 =	sadd.s32 s2, s28;
	s29 =	smax.u32 s16, $0x1  }
0xd: {  	s2 =	simm.s32 $0x1;
	s16 =	simm.s32 $0x400;
	[dreg:$0x4] =	wrdreg s0  }
0xe: {  	v2 =	vlaneseq.u32;
	s9 =	sadd.s32 $0x1000, s8;
	s10 =	sadd.s32 $0x2000, s8;
	s11 =	sadd.s32 $0x3000, s8  }
0xf: {  	vm0 =	vmmov $0xffff;
	v1 =	vshrl.u32 v2, $0x3;
	s12 =	sadd.s32 $0x4000, s8;
	s13 =	sadd.s32 $0x5000, s8;
	s14 =	sadd.s32 $0x6000, s8  }
0x10: {  	v0 =	vand.u32 $0x7, v2;
	v2 =	vor.u32 $0x8, v2;
	v1 =	vmul.u32 $0x8, v1;
	s15 =	sadd.s32 $0x7000, s8;
	[dreg:$0x5] =	wrdreg s29;
	s0 =	simm.s32 $0xF900  }
.LBB2_1:
0x11: {  	s23 =	rddreg [dreg:$0x4];
	s26 =	simm.s32 $0x7  }
0x12: {  	[tilespmem:s3], [sflag:$0x7] =	stream.linear.gather [hbm4b:s23+s3], $0x100, $0x38;
	[tilespmem:$0x18100] =	vst v63  }
0x13: {  	_ =	swait.ge [sflag:s26], $0x100  }
0x14: {  	[sflag:s26] =	ssyncset.done $0x0  }
0x15: {  	[sflag:s26] =	ssyncadd.s32 $0xFFFFFF00  }
0x16: {  	v3 =	vld [tilespmem:$0x0];
	_ =	sdelay $0x4  }
0x17: {  	v4 =	vshll.u32 v3, $0x3  }
0x18: {  	v3 =	vand.u32 $0x7, v3;
	v4 =	vand.u32 $0xFFFFFFC0, v4  }
0x19: {  	v3 =	vor.u32 v3, v4  }
0x1a: {  	v4 =	vperm.xlane v3, v0;
	_ =	sdelay $0x1  }
0x1b: {  	v4 =	vadd.s32 v1, v4;
	_ =	sdelay $0x3  }
0x1c: {  	s29 =	simm.s32 $0x100  }
0x1d: {  	[tilespmem:s29], [sflag:$0x1] =	stream.indirect_vreg.gather [hbm4b:s1+s3], $0x80, v4, vm0, $0xb8;
	[tilespmem:$0x18100] =	vst v63  }
0x1e: {  	s24 =	simm.s32 $0x900;
	v3 =	vperm.xlane v3, v2  }
0x1f: {  	[tilespmem:s24], [sflag:$0x1] =	stream.indirect_vreg.gather [hbm4b:s5+s3], $0x80, v4, vm0, $0xb8;
	[tilespmem:$0x18100] =	vst v63  }
0x20: {  	s25 =	simm.s32 $0x1100;
	v3 =	vadd.s32 v1, v3  }
0x21: {  	[tilespmem:s25], [sflag:$0x1] =	stream.indirect_vreg.gather [hbm4b:s6+s3], $0x80, v4, vm0, $0xb8;
	[tilespmem:$0x18100] =	vst v63  }
0x22: {  	s26 =	simm.s32 $0x1900  }
0x23: {  	[tilespmem:s26], [sflag:$0x1] =	stream.indirect_vreg.gather [hbm4b:s7+s3], $0x80, v4, vm0, $0xb8;
	[tilespmem:$0x18100] =	vst v63  }
0x24: {  	s29 =	simm.s32 $0x2100  }
0x25: {  	[tilespmem:s29], [sflag:$0x1] =	stream.indirect_vreg.gather [hbm4b:s1+s3], $0x80, v3, vm0, $0xb8;
	[tilespmem:$0x18100] =	vst v63  }
0x26: {  	s24 =	simm.s32 $0x2900  }
0x27: {  	[tilespmem:s24], [sflag:$0x1] =	stream.indirect_vreg.gather [hbm4b:s5+s3], $0x80, v3, vm0, $0xb8;
	[tilespmem:$0x18100] =	vst v63  }
0x28: {  	s25 =	simm.s32 $0x3100  }
0x29: {  	[tilespmem:s25], [sflag:$0x1] =	stream.indirect_vreg.gather [hbm4b:s6+s3], $0x80, v3, vm0, $0xb8;
	[tilespmem:$0x18100] =	vst v63  }
0x2a: {  	s26 =	simm.s32 $0x3900  }
0x2b: {  	[tilespmem:s26], [sflag:$0x1] =	stream.indirect_vreg.gather [hbm4b:s7+s3], $0x80, v3, vm0, $0xb8;
	[tilespmem:$0x18100] =	vst v63  }
0x2c: {  	v3 =	vld [tilespmem:$0x10];
	_ =	sdelay $0x4  }
0x2d: {  	v59 =	vshll.u32 v3, $0x3  }
0x2e: {  	v3 =	vand.u32 $0x7, v3;
	v4 =	vand.u32 $0xFFFFFFC0, v59  }
0x2f: {  	v3 =	vor.u32 v3, v4  }
0x30: {  	v4 =	vperm.xlane v3, v0;
	_ =	sdelay $0x1  }
0x31: {  	v4 =	vadd.s32 v1, v4;
	_ =	sdelay $0x3  }
0x32: {  	s29 =	simm.s32 $0x4100  }
0x33: {  	[tilespmem:s29], [sflag:$0x1] =	stream.indirect_vreg.gather [hbm4b:s1+s3], $0x80, v4, vm0, $0xb8;
	[tilespmem:$0x18100] =	vst v63  }
0x34: {  	s24 =	simm.s32 $0x4900;
	v3 =	vperm.xlane v3, v2  }
0x35: {  	[tilespmem:s24], [sflag:$0x1] =	stream.indirect_vreg.gather [hbm4b:s5+s3], $0x80, v4, vm0, $0xb8;
	[tilespmem:$0x18100] =	vst v63  }
0x36: {  	s25 =	simm.s32 $0x5100;
	v3 =	vadd.s32 v1, v3  }
0x37: {  	[tilespmem:s25], [sflag:$0x1] =	stream.indirect_vreg.gather [hbm4b:s6+s3], $0x80, v4, vm0, $0xb8;
	[tilespmem:$0x18100] =	vst v63  }
0x38: {  	s26 =	simm.s32 $0x5900  }
0x39: {  	[tilespmem:s26], [sflag:$0x1] =	stream.indirect_vreg.gather [hbm4b:s7+s3], $0x80, v4, vm0, $0xb8;
	[tilespmem:$0x18100] =	vst v63  }
0x3a: {  	s29 =	simm.s32 $0x6100  }
0x3b: {  	[tilespmem:s29], [sflag:$0x1] =	stream.indirect_vreg.gather [hbm4b:s1+s3], $0x80, v3, vm0, $0xb8;
	[tilespmem:$0x18100] =	vst v63  }
0x3c: {  	s24 =	simm.s32 $0x6900  }
0x3d: {  	[tilespmem:s24], [sflag:$0x1] =	stream.indirect_vreg.gather [hbm4b:s5+s3], $0x80, v3, vm0, $0xb8;
	[tilespmem:$0x18100] =	vst v63  }
0x3e: {  	s25 =	simm.s32 $0x7100  }
0x3f: {  	[tilespmem:s25], [sflag:$0x1] =	stream.indirect_vreg.gather [hbm4b:s6+s3], $0x80, v3, vm0, $0xb8;
	[tilespmem:$0x18100] =	vst v63  }
0x40: {  	s26 =	simm.s32 $0x7900  }
0x41: {  	[tilespmem:s26], [sflag:$0x1] =	stream.indirect_vreg.gather [hbm4b:s7+s3], $0x80, v3, vm0, $0xb8;
	[tilespmem:$0x18100] =	vst v63  }
0x42: {  	v3 =	vld [tilespmem:$0x20];
	_ =	sdelay $0x4  }
0x43: {  	v60 =	vshll.u32 v3, $0x3  }
0x44: {  	v3 =	vand.u32 $0x7, v3;
	v4 =	vand.u32 $0xFFFFFFC0, v60  }
0x45: {  	v3 =	vor.u32 v3, v4  }
0x46: {  	v4 =	vperm.xlane v3, v0;
	_ =	sdelay $0x1  }
0x47: {  	v4 =	vadd.s32 v1, v4;
	_ =	sdelay $0x3  }
0x48: {  	s29 =	simm.s32 $0x8100  }
0x49: {  	[tilespmem:s29], [sflag:$0x2] =	stream.indirect_vreg.gather [hbm4b:s1+s3], $0x80, v4, vm0, $0xb8;
	[tilespmem:$0x18100] =	vst v63  }
0x4a: {  	s24 =	simm.s32 $0x8900;
	v3 =	vperm.xlane v3, v2  }
0x4b: {  	[tilespmem:s24], [sflag:$0x2] =	stream.indirect_vreg.gather [hbm4b:s5+s3], $0x80, v4, vm0, $0xb8;
	[tilespmem:$0x18100] =	vst v63  }
0x4c: {  	s25 =	simm.s32 $0x9100;
	v3 =	vadd.s32 v1, v3  }
0x4d: {  	[tilespmem:s25], [sflag:$0x2] =	stream.indirect_vreg.gather [hbm4b:s6+s3], $0x80, v4, vm0, $0xb8;
	[tilespmem:$0x18100] =	vst v63  }
0x4e: {  	s26 =	simm.s32 $0x9900  }
0x4f: {  	[tilespmem:s26], [sflag:$0x2] =	stream.indirect_vreg.gather [hbm4b:s7+s3], $0x80, v4, vm0, $0xb8;
	[tilespmem:$0x18100] =	vst v63  }
0x50: {  	s29 =	simm.s32 $0xA100  }
0x51: {  	[tilespmem:s29], [sflag:$0x2] =	stream.indirect_vreg.gather [hbm4b:s1+s3], $0x80, v3, vm0, $0xb8;
	[tilespmem:$0x18100] =	vst v63  }
0x52: {  	s24 =	simm.s32 $0xA900  }
0x53: {  	[tilespmem:s24], [sflag:$0x2] =	stream.indirect_vreg.gather [hbm4b:s5+s3], $0x80, v3, vm0, $0xb8;
	[tilespmem:$0x18100] =	vst v63  }
0x54: {  	s25 =	simm.s32 $0xB100  }
0x55: {  	[tilespmem:s25], [sflag:$0x2] =	stream.indirect_vreg.gather [hbm4b:s6+s3], $0x80, v3, vm0, $0xb8;
	[tilespmem:$0x18100] =	vst v63  }
0x56: {  	s26 =	simm.s32 $0xB900  }
0x57: {  	[tilespmem:s26], [sflag:$0x2] =	stream.indirect_vreg.gather [hbm4b:s7+s3], $0x80, v3, vm0, $0xb8;
	[tilespmem:$0x18100] =	vst v63  }
0x58: {  	v3 =	vld [tilespmem:$0x30];
	_ =	sdelay $0x4  }
0x59: {  	v61 =	vshll.u32 v3, $0x3  }
0x5a: {  	v3 =	vand.u32 $0x7, v3;
	v4 =	vand.u32 $0xFFFFFFC0, v61  }
0x5b: {  	v3 =	vor.u32 v3, v4  }
0x5c: {  	v4 =	vperm.xlane v3, v0;
	_ =	sdelay $0x1  }
0x5d: {  	v4 =	vadd.s32 v1, v4;
	_ =	sdelay $0x3  }
0x5e: {  	s29 =	simm.s32 $0xC100  }
0x5f: {  	[tilespmem:s29], [sflag:$0x2] =	stream.indirect_vreg.gather [hbm4b:s1+s3], $0x80, v4, vm0, $0xb8;
	[tilespmem:$0x18100] =	vst v63  }
0x60: {  	s24 =	simm.s32 $0xC900;
	v3 =	vperm.xlane v3, v2  }
0x61: {  	[tilespmem:s24], [sflag:$0x2] =	stream.indirect_vreg.gather [hbm4b:s5+s3], $0x80, v4, vm0, $0xb8;
	[tilespmem:$0x18100] =	vst v63  }
0x62: {  	s25 =	simm.s32 $0xD100;
	v3 =	vadd.s32 v1, v3  }
0x63: {  	[tilespmem:s25], [sflag:$0x2] =	stream.indirect_vreg.gather [hbm4b:s6+s3], $0x80, v4, vm0, $0xb8;
	[tilespmem:$0x18100] =	vst v63  }
0x64: {  	s26 =	simm.s32 $0xD900  }
0x65: {  	[tilespmem:s26], [sflag:$0x2] =	stream.indirect_vreg.gather [hbm4b:s7+s3], $0x80, v4, vm0, $0xb8;
	[tilespmem:$0x18100] =	vst v63  }
0x66: {  	s29 =	simm.s32 $0xE100  }
0x67: {  	[tilespmem:s29], [sflag:$0x2] =	stream.indirect_vreg.gather [hbm4b:s1+s3], $0x80, v3, vm0, $0xb8;
	[tilespmem:$0x18100] =	vst v63  }
0x68: {  	_ = 	snop  }
0x69: {  	[tilespmem:s30], [sflag:$0x2] =	stream.indirect_vreg.gather [hbm4b:s5+s3], $0x80, v3, vm0, $0xb8;
	[tilespmem:$0x18100] =	vst v63  }
0x6a: {  	_ = 	snop  }
0x6b: {  	[tilespmem:s31], [sflag:$0x2] =	stream.indirect_vreg.gather [hbm4b:s6+s3], $0x80, v3, vm0, $0xb8;
	[tilespmem:$0x18100] =	vst v63  }
0x6c: {  	_ = 	snop  }
0x6d: {  	[tilespmem:s0], [sflag:$0x2] =	stream.indirect_vreg.gather [hbm4b:s7+s3], $0x80, v3, vm0, $0xb8;
	[tilespmem:$0x18100] =	vst v63  }
0x6e: {  	_ =	swait.ge [sflag:s2], $0x8000  }
0x6f: {  	[sflag:s2] =	ssyncset.done $0x0  }
0x70: {  	[sflag:s2] =	ssyncadd.s32 $0xFFFF8000  }
0x71: {  	v3 =	vld [tilespmem:$0x40];
	_ =	sdelay $0x4  }
0x72: {  	v62 =	vshll.u32 v3, $0x3  }
0x73: {  	v3 =	vand.u32 $0x7, v3;
	v4 =	vand.u32 $0xFFFFFFC0, v62  }
0x74: {  	v3 =	vor.u32 v3, v4  }
0x75: {  	v4 =	vperm.xlane v3, v0;
	_ =	sdelay $0x1  }
0x76: {  	v4 =	vadd.s32 v1, v4;
	_ =	sdelay $0x3  }
0x77: {  	s24 =	simm.s32 $0x10100  }
0x78: {  	[tilespmem:s24], [sflag:$0x3] =	stream.indirect_vreg.gather [hbm4b:s1+s3], $0x80, v4, vm0, $0xb8;
	[tilespmem:$0x18100] =	vst v63  }
0x79: {  	s25 =	simm.s32 $0x10900;
	v3 =	vperm.xlane v3, v2  }
0x7a: {  	[tilespmem:s25], [sflag:$0x3] =	stream.indirect_vreg.gather [hbm4b:s5+s3], $0x80, v4, vm0, $0xb8;
	[tilespmem:$0x18100] =	vst v63  }
0x7b: {  	s26 =	simm.s32 $0x11100;
	v3 =	vadd.s32 v1, v3  }
0x7c: {  	[tilespmem:s26], [sflag:$0x3] =	stream.indirect_vreg.gather [hbm4b:s6+s3], $0x80, v4, vm0, $0xb8;
	[tilespmem:$0x18100] =	vst v63  }
0x7d: {  	s29 =	simm.s32 $0x11900  }
0x7e: {  	[tilespmem:s29], [sflag:$0x3] =	stream.indirect_vreg.gather [hbm4b:s7+s3], $0x80, v4, vm0, $0xb8;
	[tilespmem:$0x18100] =	vst v63  }
0x7f: {  	s24 =	simm.s32 $0x12100  }
0x80: {  	[tilespmem:s24], [sflag:$0x3] =	stream.indirect_vreg.gather [hbm4b:s1+s3], $0x80, v3, vm0, $0xb8;
	[tilespmem:$0x18100] =	vst v63  }
0x81: {  	s25 =	simm.s32 $0x12900  }
0x82: {  	[tilespmem:s25], [sflag:$0x3] =	stream.indirect_vreg.gather [hbm4b:s5+s3], $0x80, v3, vm0, $0xb8;
	[tilespmem:$0x18100] =	vst v63  }
0x83: {  	s26 =	simm.s32 $0x13100  }
0x84: {  	[tilespmem:s26], [sflag:$0x3] =	stream.indirect_vreg.gather [hbm4b:s6+s3], $0x80, v3, vm0, $0xb8;
	[tilespmem:$0x18100] =	vst v63  }
0x85: {  	s29 =	simm.s32 $0x13900  }
0x86: {  	[tilespmem:s29], [sflag:$0x3] =	stream.indirect_vreg.gather [hbm4b:s7+s3], $0x80, v3, vm0, $0xb8;
	[tilespmem:$0x18100] =	vst v63  }
0x87: {  	v3 =	vld [tilespmem:$0x50];
	_ =	sdelay $0x4  }
0x88: {  	v63 =	vshll.u32 v3, $0x3  }
0x89: {  	v3 =	vand.u32 $0x7, v3;
	v4 =	vand.u32 $0xFFFFFFC0, v63  }
0x8a: {  	v3 =	vor.u32 v3, v4  }
0x8b: {  	v4 =	vperm.xlane v3, v0;
	_ =	sdelay $0x1  }
0x8c: {  	v4 =	vadd.s32 v1, v4;
	_ =	sdelay $0x3  }
0x8d: {  	s24 =	simm.s32 $0x14100  }
0x8e: {  	[tilespmem:s24], [sflag:$0x3] =	stream.indirect_vreg.gather [hbm4b:s1+s3], $0x80, v4, vm0, $0xb8;
	[tilespmem:$0x18100] =	vst v63  }
0x8f: {  	s25 =	simm.s32 $0x14900;
	v3 =	vperm.xlane v3, v2  }
0x90: {  	[tilespmem:s25], [sflag:$0x3] =	stream.indirect_vreg.gather [hbm4b:s5+s3], $0x80, v4, vm0, $0xb8;
	[tilespmem:$0x18100] =	vst v63  }
0x91: {  	s26 =	simm.s32 $0x15100;
	v3 =	vadd.s32 v1, v3  }
0x92: {  	[tilespmem:s26], [sflag:$0x3] =	stream.indirect_vreg.gather [hbm4b:s6+s3], $0x80, v4, vm0, $0xb8;
	[tilespmem:$0x18100] =	vst v63  }
0x93: {  	s29 =	simm.s32 $0x15900  }
0x94: {  	[tilespmem:s29], [sflag:$0x3] =	stream.indirect_vreg.gather [hbm4b:s7+s3], $0x80, v4, vm0, $0xb8;
	[tilespmem:$0x18100] =	vst v63  }
0x95: {  	s24 =	simm.s32 $0x16100  }
0x96: {  	[tilespmem:s24], [sflag:$0x3] =	stream.indirect_vreg.gather [hbm4b:s1+s3], $0x80, v3, vm0, $0xb8;
	[tilespmem:$0x18100] =	vst v63  }
0x97: {  	s25 =	simm.s32 $0x16900  }
0x98: {  	[tilespmem:s25], [sflag:$0x3] =	stream.indirect_vreg.gather [hbm4b:s5+s3], $0x80, v3, vm0, $0xb8;
	[tilespmem:$0x18100] =	vst v63  }
0x99: {  	s26 =	simm.s32 $0x17100  }
0x9a: {  	[tilespmem:s26], [sflag:$0x3] =	stream.indirect_vreg.gather [hbm4b:s6+s3], $0x80, v3, vm0, $0xb8;
	[tilespmem:$0x18100] =	vst v63  }
0x9b: {  	s29 =	simm.s32 $0x17900  }
0x9c: {  	[tilespmem:s29], [sflag:$0x3] =	stream.indirect_vreg.gather [hbm4b:s7+s3], $0x80, v3, vm0, $0xb8;
	[tilespmem:$0x18100] =	vst v63  }
0x9d: {  	s24 =	simm.s32 $0x100  }
0x9e: {  	[hbm4b:s8+s4] =	stream.strided.scatter [tilespmem:s24], [sflag:$0x4], $0x400, s16, s4, $0x38;
	[tilespmem:$0x18100] =	vst v63  }
0x9f: {  	s25 =	simm.s32 $0x500;
	s24 =	sadd.s32 $0x10, s8  }
0xa0: {  	[hbm4b:s24+s4] =	stream.strided.scatter [tilespmem:s25], [sflag:$0x4], $0x400, s16, s4, $0x38;
	[tilespmem:$0x18100] =	vst v63  }
0xa1: {  	s26 =	simm.s32 $0x900;
	s29 =	sadd.s32 $0x20, s8  }
0xa2: {  	[hbm4b:s29+s4] =	stream.strided.scatter [tilespmem:s26], [sflag:$0x4], $0x400, s16, s4, $0x38;
	[tilespmem:$0x18100] =	vst v63  }
0xa3: {  	s24 =	simm.s32 $0xD00;
	s25 =	sadd.s32 $0x30, s8  }
0xa4: {  	[hbm4b:s25+s4] =	stream.strided.scatter [tilespmem:s24], [sflag:$0x4], $0x400, s16, s4, $0x38;
	[tilespmem:$0x18100] =	vst v63  }
0xa5: {  	s26 =	simm.s32 $0x1100;
	s29 =	sadd.s32 $0x40, s8  }
0xa6: {  	[hbm4b:s29+s4] =	stream.strided.scatter [tilespmem:s26], [sflag:$0x4], $0x400, s16, s4, $0x38;
	[tilespmem:$0x18100] =	vst v63  }
0xa7: {  	s28 =	sadd.s32 $0x70, s8;
	s24 =	simm.s32 $0x1500;
	s25 =	sadd.s32 $0x50, s8  }
0xa8: {  	[hbm4b:s25+s4] =	stream.strided.scatter [tilespmem:s24], [sflag:$0x4], $0x400, s16, s4, $0x38;
	[tilespmem:$0x18100] =	vst v63  }
0xa9: {  	s23 =	simm.s32 $0x2000;
	s26 =	simm.s32 $0x1900;
	s29 =	sadd.s32 $0x60, s8  }
0xaa: {  	[hbm4b:s29+s4] =	stream.strided.scatter [tilespmem:s26], [sflag:$0x4], $0x400, s16, s4, $0x38;
	[tilespmem:$0x18100] =	vst v63  }
0xab: {  	s25 =	simm.s32 $0x10000;
	s24 =	sadd.s32 $0x400, s8;
	s26 =	simm.s32 $0x1D00  }
.LBB2_2:
0xac: {  	[hbm4b:s28+s4] =	stream.strided.scatter [tilespmem:s26], [sflag:$0x4], $0x400, s16, s4, $0x38;
	[tilespmem:$0x18100] =	vst v63  }
0xad: {  	s26 =	smov.u32 s23;
	s23 =	smov.u32 s25  }
0xae: {  	s29 =	sadd.s32 $0x8000, s25;
	s23 =	sshra.s32 s23, $0x2;
	s28 =	sadd.s32 $0x100, s26  }
0xaf: {  	[hbm4b:s24+s4] =	stream.strided.scatter [tilespmem:s28], [sflag:$0x4], $0x400, s16, s4, $0x38;
	[tilespmem:$0x18100] =	vst v63  }
0xb0: {  	p0 =	sne.s32 s25, $0x18000;
	s25 =	sadd.s32 $0x500, s26;
	s28 =	sadd.s32 $0x10, s24  }
0xb1: {  	[hbm4b:s28+s4] =	stream.strided.scatter [tilespmem:s25], [sflag:$0x4], $0x400, s16, s4, $0x38;
	[tilespmem:$0x18100] =	vst v63  }
0xb2: {  	s25 =	sadd.s32 $0x900, s26;
	s28 =	sadd.s32 $0x20, s24  }
0xb3: {  	[hbm4b:s28+s4] =	stream.strided.scatter [tilespmem:s25], [sflag:$0x4], $0x400, s16, s4, $0x38;
	[tilespmem:$0x18100] =	vst v63  }
0xb4: {  	s25 =	sadd.s32 $0xD00, s26;
	s28 =	sadd.s32 $0x30, s24  }
0xb5: {  	[hbm4b:s28+s4] =	stream.strided.scatter [tilespmem:s25], [sflag:$0x4], $0x400, s16, s4, $0x38;
	[tilespmem:$0x18100] =	vst v63  }
0xb6: {  	s25 =	sadd.s32 $0x1100, s26;
	s28 =	sadd.s32 $0x40, s24  }
0xb7: {  	[hbm4b:s28+s4] =	stream.strided.scatter [tilespmem:s25], [sflag:$0x4], $0x400, s16, s4, $0x38;
	[tilespmem:$0x18100] =	vst v63  }
.Ltmp0:
0xb8: {  	s25 =	sadd.s32 $0x1500, s26;
	s28 =	sadd.s32 $0x50, s24;
	(pc) =	sbr.rel @p0 .LBB2_2-.Ltmp0, $4  }
0xb9: {  	[hbm4b:s28+s4] =	stream.strided.scatter [tilespmem:s25], [sflag:$0x4], $0x400, s16, s4, $0x38;
	[tilespmem:$0x18100] =	vst v63  }
0xba: {  	s25 =	sadd.s32 $0x1900, s26;
	s28 =	sadd.s32 $0x60, s24;
	s26 =	sadd.s32 $0x1D00, s26  }
0xbb: {  	[hbm4b:s28+s4] =	stream.strided.scatter [tilespmem:s25], [sflag:$0x4], $0x400, s16, s4, $0x38;
	[tilespmem:$0x18100] =	vst v63  }
0xbc: {  	s28 =	sadd.s32 $0x70, s24;
	s24 =	sadd.s32 $0x400, s24;
	s25 =	smov.u32 s29  }
0xbd: {  	[hbm4b:s28+s4] =	stream.strided.scatter [tilespmem:s26], [sflag:$0x4], $0x400, s16, s4, $0x38;
	[tilespmem:$0x18100] =	vst v63  }
0xbe: {  	s25 =	sadd.s32 $0x100, s23  }
0xbf: {  	[hbm4b:s24+s4] =	stream.strided.scatter [tilespmem:s25], [sflag:$0x4], $0x400, s16, s4, $0x38;
	[tilespmem:$0x18100] =	vst v63  }
0xc0: {  	s26 =	sadd.s32 $0x500, s23;
	s29 =	sadd.s32 $0x10, s24  }
0xc1: {  	[hbm4b:s29+s4] =	stream.strided.scatter [tilespmem:s26], [sflag:$0x4], $0x400, s16, s4, $0x38;
	[tilespmem:$0x18100] =	vst v63  }
0xc2: {  	s26 =	sadd.s32 $0x900, s23;
	s29 =	sadd.s32 $0x20, s24  }
0xc3: {  	[hbm4b:s29+s4] =	stream.strided.scatter [tilespmem:s26], [sflag:$0x4], $0x400, s16, s4, $0x38;
	[tilespmem:$0x18100] =	vst v63  }
0xc4: {  	s26 =	sadd.s32 $0xD00, s23;
	s29 =	sadd.s32 $0x30, s24  }
0xc5: {  	[hbm4b:s29+s4] =	stream.strided.scatter [tilespmem:s26], [sflag:$0x4], $0x400, s16, s4, $0x38;
	[tilespmem:$0x18100] =	vst v63  }
0xc6: {  	s26 =	sadd.s32 $0x1100, s23;
	s29 =	sadd.s32 $0x40, s24  }
0xc7: {  	[hbm4b:s29+s4] =	stream.strided.scatter [tilespmem:s26], [sflag:$0x4], $0x400, s16, s4, $0x38;
	[tilespmem:$0x18100] =	vst v63  }
0xc8: {  	s26 =	sadd.s32 $0x1500, s23;
	s29 =	sadd.s32 $0x50, s24  }
0xc9: {  	[hbm4b:s29+s4] =	stream.strided.scatter [tilespmem:s26], [sflag:$0x4], $0x400, s16, s4, $0x38;
	[tilespmem:$0x18100] =	vst v63  }
0xca: {  	s26 =	sadd.s32 $0x1900, s23;
	s29 =	sadd.s32 $0x60, s24  }
0xcb: {  	[hbm4b:s29+s4] =	stream.strided.scatter [tilespmem:s26], [sflag:$0x4], $0x400, s16, s4, $0x38;
	[tilespmem:$0x18100] =	vst v63  }
0xcc: {  	s25 =	sadd.s32 $0x70, s24;
	s29 =	sadd.s32 $0x1D00, s23  }
0xcd: {  	[hbm4b:s25+s4] =	stream.strided.scatter [tilespmem:s29], [sflag:$0x4], $0x400, s16, s4, $0x38;
	[tilespmem:$0x18100] =	vst v63  }
0xce: {  	_ =	swait.ge [sflag:s17], $0x8000  }
0xcf: {  	[sflag:s17] =	ssyncset.done $0x0  }
0xd0: {  	[sflag:s17] =	ssyncadd.s32 $0xFFFF8000  }
0xd1: {  	_ =	swait.ge [sflag:s18], $0x8000  }
0xd2: {  	[sflag:s18] =	ssyncset.done $0x0  }
0xd3: {  	[sflag:s18] =	ssyncadd.s32 $0xFFFF8000  }
0xd4: {  	v3 =	vld [tilespmem:$0x60];
	_ =	sdelay $0x4  }
0xd5: {  	v4 =	vshll.u32 v3, $0x3  }
0xd6: {  	v3 =	vand.u32 $0x7, v3;
	v4 =	vand.u32 $0xFFFFFFC0, v4  }
0xd7: {  	v3 =	vor.u32 v3, v4  }
0xd8: {  	v4 =	vperm.xlane v3, v0;
	_ =	sdelay $0x1  }
0xd9: {  	v4 =	vadd.s32 v1, v4;
	_ =	sdelay $0x3  }
0xda: {  	s23 =	simm.s32 $0x0;
	s26 =	simm.s32 $0x100  }
0xdb: {  	[tilespmem:s26], [sflag:$0x1] =	stream.indirect_vreg.gather [hbm4b:s1+s23], $0x80, v4, vm0, $0xb8;
	[tilespmem:$0x18100] =	vst v63  }
0xdc: {  	s29 =	simm.s32 $0x900;
	v3 =	vperm.xlane v3, v2  }
0xdd: {  	[tilespmem:s29], [sflag:$0x1] =	stream.indirect_vreg.gather [hbm4b:s5+s23], $0x80, v4, vm0, $0xb8;
	[tilespmem:$0x18100] =	vst v63  }
0xde: {  	s25 =	simm.s32 $0x1100;
	v3 =	vadd.s32 v1, v3  }
0xdf: {  	[tilespmem:s25], [sflag:$0x1] =	stream.indirect_vreg.gather [hbm4b:s6+s23], $0x80, v4, vm0, $0xb8;
	[tilespmem:$0x18100] =	vst v63  }
0xe0: {  	s26 =	simm.s32 $0x1900  }
0xe1: {  	[tilespmem:s26], [sflag:$0x1] =	stream.indirect_vreg.gather [hbm4b:s7+s23], $0x80, v4, vm0, $0xb8;
	[tilespmem:$0x18100] =	vst v63  }
0xe2: {  	s29 =	simm.s32 $0x2100  }
0xe3: {  	[tilespmem:s29], [sflag:$0x1] =	stream.indirect_vreg.gather [hbm4b:s1+s23], $0x80, v3, vm0, $0xb8;
	[tilespmem:$0x18100] =	vst v63  }
0xe4: {  	s25 =	simm.s32 $0x2900  }
0xe5: {  	[tilespmem:s25], [sflag:$0x1] =	stream.indirect_vreg.gather [hbm4b:s5+s23], $0x80, v3, vm0, $0xb8;
	[tilespmem:$0x18100] =	vst v63  }
0xe6: {  	s26 =	simm.s32 $0x3100  }
0xe7: {  	[tilespmem:s26], [sflag:$0x1] =	stream.indirect_vreg.gather [hbm4b:s6+s23], $0x80, v3, vm0, $0xb8;
	[tilespmem:$0x18100] =	vst v63  }
0xe8: {  	s29 =	simm.s32 $0x3900  }
0xe9: {  	[tilespmem:s29], [sflag:$0x1] =	stream.indirect_vreg.gather [hbm4b:s7+s23], $0x80, v3, vm0, $0xb8;
	[tilespmem:$0x18100] =	vst v63  }
0xea: {  	v3 =	vld [tilespmem:$0x70];
	_ =	sdelay $0x4  }
0xeb: {  	v63 =	vshll.u32 v3, $0x3  }
0xec: {  	v3 =	vand.u32 $0x7, v3;
	v4 =	vand.u32 $0xFFFFFFC0, v63  }
0xed: {  	v3 =	vor.u32 v3, v4  }
0xee: {  	v4 =	vperm.xlane v3, v0;
	_ =	sdelay $0x1  }
0xef: {  	v4 =	vadd.s32 v1, v4;
	_ =	sdelay $0x3  }
0xf0: {  	s25 =	simm.s32 $0x4100  }
0xf1: {  	[tilespmem:s25], [sflag:$0x1] =	stream.indirect_vreg.gather [hbm4b:s1+s23], $0x80, v4, vm0, $0xb8;
	[tilespmem:$0x18100] =	vst v63  }
0xf2: {  	s26 =	simm.s32 $0x4900;
	v3 =	vperm.xlane v3, v2  }
0xf3: {  	[tilespmem:s26], [sflag:$0x1] =	stream.indirect_vreg.gather [hbm4b:s5+s23], $0x80, v4, vm0, $0xb8;
	[tilespmem:$0x18100] =	vst v63  }
0xf4: {  	s29 =	simm.s32 $0x5100;
	v3 =	vadd.s32 v1, v3  }
0xf5: {  	[tilespmem:s29], [sflag:$0x1] =	stream.indirect_vreg.gather [hbm4b:s6+s23], $0x80, v4, vm0, $0xb8;
	[tilespmem:$0x18100] =	vst v63  }
0xf6: {  	s25 =	simm.s32 $0x5900  }
0xf7: {  	[tilespmem:s25], [sflag:$0x1] =	stream.indirect_vreg.gather [hbm4b:s7+s23], $0x80, v4, vm0, $0xb8;
	[tilespmem:$0x18100] =	vst v63  }
0xf8: {  	s26 =	simm.s32 $0x6100  }
0xf9: {  	[tilespmem:s26], [sflag:$0x1] =	stream.indirect_vreg.gather [hbm4b:s1+s23], $0x80, v3, vm0, $0xb8;
	[tilespmem:$0x18100] =	vst v63  }
0xfa: {  	s29 =	simm.s32 $0x6900  }
0xfb: {  	[tilespmem:s29], [sflag:$0x1] =	stream.indirect_vreg.gather [hbm4b:s5+s23], $0x80, v3, vm0, $0xb8;
	[tilespmem:$0x18100] =	vst v63  }
0xfc: {  	s25 =	simm.s32 $0x7100  }
0xfd: {  	[tilespmem:s25], [sflag:$0x1] =	stream.indirect_vreg.gather [hbm4b:s6+s23], $0x80, v3, vm0, $0xb8;
	[tilespmem:$0x18100] =	vst v63  }
0xfe: {  	s26 =	simm.s32 $0x7900  }
0xff: {  	[tilespmem:s26], [sflag:$0x1] =	stream.indirect_vreg.gather [hbm4b:s7+s23], $0x80, v3, vm0, $0xb8;
	[tilespmem:$0x18100] =	vst v63  }
0x100: {  	s29 =	simm.s32 $0x8100  }
0x101: {  	[hbm4b:s9+s4] =	stream.strided.scatter [tilespmem:s29], [sflag:$0x5], $0x400, s16, s4, $0x38;
	[tilespmem:$0x18100] =	vst v63  }
0x102: {  	s24 =	simm.s32 $0x8500;
	s25 =	sadd.s32 $0x10, s9  }
0x103: {  	[hbm4b:s25+s4] =	stream.strided.scatter [tilespmem:s24], [sflag:$0x5], $0x400, s16, s4, $0x38;
	[tilespmem:$0x18100] =	vst v63  }
0x104: {  	s26 =	simm.s32 $0x8900;
	s29 =	sadd.s32 $0x20, s9  }
0x105: {  	[hbm4b:s29+s4] =	stream.strided.scatter [tilespmem:s26], [sflag:$0x5], $0x400, s16, s4, $0x38;
	[tilespmem:$0x18100] =	vst v63  }
0x106: {  	s24 =	simm.s32 $0x8D00;
	s25 =	sadd.s32 $0x30, s9  }
0x107: {  	[hbm4b:s25+s4] =	stream.strided.scatter [tilespmem:s24], [sflag:$0x5], $0x400, s16, s4, $0x38;
	[tilespmem:$0x18100] =	vst v63  }
0x108: {  	s26 =	simm.s32 $0x9100;
	s29 =	sadd.s32 $0x40, s9  }
0x109: {  	[hbm4b:s29+s4] =	stream.strided.scatter [tilespmem:s26], [sflag:$0x5], $0x400, s16, s4, $0x38;
	[tilespmem:$0x18100] =	vst v63  }
0x10a: {  	s28 =	sadd.s32 $0x70, s9;
	s24 =	simm.s32 $0x9500;
	s25 =	sadd.s32 $0x50, s9  }
0x10b: {  	[hbm4b:s25+s4] =	stream.strided.scatter [tilespmem:s24], [sflag:$0x5], $0x400, s16, s4, $0x38;
	[tilespmem:$0x18100] =	vst v63  }
0x10c: {  	s23 =	simm.s32 $0x2000;
	s26 =	simm.s32 $0x9900;
	s29 =	sadd.s32 $0x60, s9  }
0x10d: {  	[hbm4b:s29+s4] =	stream.strided.scatter [tilespmem:s26], [sflag:$0x5], $0x400, s16, s4, $0x38;
	[tilespmem:$0x18100] =	vst v63  }
0x10e: {  	s25 =	simm.s32 $0x10000;
	s24 =	sadd.s32 $0x400, s9;
	s26 =	simm.s32 $0x9D00  }
.LBB2_4:
0x10f: {  	[hbm4b:s28+s4] =	stream.strided.scatter [tilespmem:s26], [sflag:$0x5], $0x400, s16, s4, $0x38;
	[tilespmem:$0x18100] =	vst v63  }
0x110: {  	s26 =	smov.u32 s23;
	s23 =	smov.u32 s25  }
0x111: {  	s29 =	sadd.s32 $0x8000, s25;
	s23 =	sshra.s32 s23, $0x2;
	s28 =	sadd.s32 $0x8100, s26  }
0x112: {  	[hbm4b:s24+s4] =	stream.strided.scatter [tilespmem:s28], [sflag:$0x5], $0x400, s16, s4, $0x38;
	[tilespmem:$0x18100] =	vst v63  }
0x113: {  	p0 =	sne.s32 s25, $0x18000;
	s25 =	sadd.s32 $0x8500, s26;
	s28 =	sadd.s32 $0x10, s24  }
0x114: {  	[hbm4b:s28+s4] =	stream.strided.scatter [tilespmem:s25], [sflag:$0x5], $0x400, s16, s4, $0x38;
	[tilespmem:$0x18100] =	vst v63  }
0x115: {  	s25 =	sadd.s32 $0x8900, s26;
	s28 =	sadd.s32 $0x20, s24  }
0x116: {  	[hbm4b:s28+s4] =	stream.strided.scatter [tilespmem:s25], [sflag:$0x5], $0x400, s16, s4, $0x38;
	[tilespmem:$0x18100] =	vst v63  }
0x117: {  	s25 =	sadd.s32 $0x8D00, s26;
	s28 =	sadd.s32 $0x30, s24  }
0x118: {  	[hbm4b:s28+s4] =	stream.strided.scatter [tilespmem:s25], [sflag:$0x5], $0x400, s16, s4, $0x38;
	[tilespmem:$0x18100] =	vst v63  }
0x119: {  	s25 =	sadd.s32 $0x9100, s26;
	s28 =	sadd.s32 $0x40, s24  }
0x11a: {  	[hbm4b:s28+s4] =	stream.strided.scatter [tilespmem:s25], [sflag:$0x5], $0x400, s16, s4, $0x38;
	[tilespmem:$0x18100] =	vst v63  }
.Ltmp1:
0x11b: {  	s25 =	sadd.s32 $0x9500, s26;
	s28 =	sadd.s32 $0x50, s24;
	(pc) =	sbr.rel @p0 .LBB2_4-.Ltmp1, $4  }
0x11c: {  	[hbm4b:s28+s4] =	stream.strided.scatter [tilespmem:s25], [sflag:$0x5], $0x400, s16, s4, $0x38;
	[tilespmem:$0x18100] =	vst v63  }
0x11d: {  	s25 =	sadd.s32 $0x9900, s26;
	s28 =	sadd.s32 $0x60, s24;
	s26 =	sadd.s32 $0x9D00, s26  }
0x11e: {  	[hbm4b:s28+s4] =	stream.strided.scatter [tilespmem:s25], [sflag:$0x5], $0x400, s16, s4, $0x38;
	[tilespmem:$0x18100] =	vst v63  }
0x11f: {  	s28 =	sadd.s32 $0x70, s24;
	s24 =	sadd.s32 $0x400, s24;
	s25 =	smov.u32 s29  }
0x120: {  	[hbm4b:s28+s4] =	stream.strided.scatter [tilespmem:s26], [sflag:$0x5], $0x400, s16, s4, $0x38;
	[tilespmem:$0x18100] =	vst v63  }
0x121: {  	s25 =	sadd.s32 $0x8100, s23  }
0x122: {  	[hbm4b:s24+s4] =	stream.strided.scatter [tilespmem:s25], [sflag:$0x5], $0x400, s16, s4, $0x38;
	[tilespmem:$0x18100] =	vst v63  }
0x123: {  	s26 =	sadd.s32 $0x8500, s23;
	s29 =	sadd.s32 $0x10, s24  }
0x124: {  	[hbm4b:s29+s4] =	stream.strided.scatter [tilespmem:s26], [sflag:$0x5], $0x400, s16, s4, $0x38;
	[tilespmem:$0x18100] =	vst v63  }
0x125: {  	s26 =	sadd.s32 $0x8900, s23;
	s29 =	sadd.s32 $0x20, s24  }
0x126: {  	[hbm4b:s29+s4] =	stream.strided.scatter [tilespmem:s26], [sflag:$0x5], $0x400, s16, s4, $0x38;
	[tilespmem:$0x18100] =	vst v63  }
0x127: {  	s26 =	sadd.s32 $0x8D00, s23;
	s29 =	sadd.s32 $0x30, s24  }
0x128: {  	[hbm4b:s29+s4] =	stream.strided.scatter [tilespmem:s26], [sflag:$0x5], $0x400, s16, s4, $0x38;
	[tilespmem:$0x18100] =	vst v63  }
0x129: {  	s26 =	sadd.s32 $0x9100, s23;
	s29 =	sadd.s32 $0x40, s24  }
0x12a: {  	[hbm4b:s29+s4] =	stream.strided.scatter [tilespmem:s26], [sflag:$0x5], $0x400, s16, s4, $0x38;
	[tilespmem:$0x18100] =	vst v63  }
0x12b: {  	s26 =	sadd.s32 $0x9500, s23;
	s29 =	sadd.s32 $0x50, s24  }
0x12c: {  	[hbm4b:s29+s4] =	stream.strided.scatter [tilespmem:s26], [sflag:$0x5], $0x400, s16, s4, $0x38;
	[tilespmem:$0x18100] =	vst v63  }
0x12d: {  	s26 =	sadd.s32 $0x9900, s23;
	s29 =	sadd.s32 $0x60, s24  }
0x12e: {  	[hbm4b:s29+s4] =	stream.strided.scatter [tilespmem:s26], [sflag:$0x5], $0x400, s16, s4, $0x38;
	[tilespmem:$0x18100] =	vst v63  }
0x12f: {  	s25 =	sadd.s32 $0x70, s24;
	s29 =	sadd.s32 $0x9D00, s23  }
0x130: {  	[hbm4b:s25+s4] =	stream.strided.scatter [tilespmem:s29], [sflag:$0x5], $0x400, s16, s4, $0x38;
	[tilespmem:$0x18100] =	vst v63  }
0x131: {  	_ =	swait.ge [sflag:s19], $0x8000  }
0x132: {  	[sflag:s19] =	ssyncset.done $0x0  }
0x133: {  	[sflag:s19] =	ssyncadd.s32 $0xFFFF8000  }
0x134: {  	_ =	swait.ge [sflag:s20], $0x8000  }
0x135: {  	[sflag:s20] =	ssyncset.done $0x0  }
0x136: {  	[sflag:s20] =	ssyncadd.s32 $0xFFFF8000  }
0x137: {  	v3 =	vld [tilespmem:$0x80];
	_ =	sdelay $0x4  }
0x138: {  	v4 =	vshll.u32 v3, $0x3  }
0x139: {  	v3 =	vand.u32 $0x7, v3;
	v4 =	vand.u32 $0xFFFFFFC0, v4  }
0x13a: {  	v3 =	vor.u32 v3, v4  }
0x13b: {  	v4 =	vperm.xlane v3, v0;
	_ =	sdelay $0x1  }
0x13c: {  	v4 =	vadd.s32 v1, v4;
	_ =	sdelay $0x3  }
0x13d: {  	s23 =	simm.s32 $0x0;
	s26 =	simm.s32 $0x8100  }
0x13e: {  	[tilespmem:s26], [sflag:$0x2] =	stream.indirect_vreg.gather [hbm4b:s1+s23], $0x80, v4, vm0, $0xb8;
	[tilespmem:$0x18100] =	vst v63  }
0x13f: {  	s29 =	simm.s32 $0x8900;
	v3 =	vperm.xlane v3, v2  }
0x140: {  	[tilespmem:s29], [sflag:$0x2] =	stream.indirect_vreg.gather [hbm4b:s5+s23], $0x80, v4, vm0, $0xb8;
	[tilespmem:$0x18100] =	vst v63  }
0x141: {  	s25 =	simm.s32 $0x9100;
	v3 =	vadd.s32 v1, v3  }
0x142: {  	[tilespmem:s25], [sflag:$0x2] =	stream.indirect_vreg.gather [hbm4b:s6+s23], $0x80, v4, vm0, $0xb8;
	[tilespmem:$0x18100] =	vst v63  }
0x143: {  	s26 =	simm.s32 $0x9900  }
0x144: {  	[tilespmem:s26], [sflag:$0x2] =	stream.indirect_vreg.gather [hbm4b:s7+s23], $0x80, v4, vm0, $0xb8;
	[tilespmem:$0x18100] =	vst v63  }
0x145: {  	s29 =	simm.s32 $0xA100  }
0x146: {  	[tilespmem:s29], [sflag:$0x2] =	stream.indirect_vreg.gather [hbm4b:s1+s23], $0x80, v3, vm0, $0xb8;
	[tilespmem:$0x18100] =	vst v63  }
0x147: {  	s25 =	simm.s32 $0xA900  }
0x148: {  	[tilespmem:s25], [sflag:$0x2] =	stream.indirect_vreg.gather [hbm4b:s5+s23], $0x80, v3, vm0, $0xb8;
	[tilespmem:$0x18100] =	vst v63  }
0x149: {  	s26 =	simm.s32 $0xB100  }
0x14a: {  	[tilespmem:s26], [sflag:$0x2] =	stream.indirect_vreg.gather [hbm4b:s6+s23], $0x80, v3, vm0, $0xb8;
	[tilespmem:$0x18100] =	vst v63  }
0x14b: {  	s29 =	simm.s32 $0xB900  }
0x14c: {  	[tilespmem:s29], [sflag:$0x2] =	stream.indirect_vreg.gather [hbm4b:s7+s23], $0x80, v3, vm0, $0xb8;
	[tilespmem:$0x18100] =	vst v63  }
0x14d: {  	v3 =	vld [tilespmem:$0x90];
	_ =	sdelay $0x4  }
0x14e: {  	v63 =	vshll.u32 v3, $0x3  }
0x14f: {  	v3 =	vand.u32 $0x7, v3;
	v4 =	vand.u32 $0xFFFFFFC0, v63  }
0x150: {  	v3 =	vor.u32 v3, v4  }
0x151: {  	v4 =	vperm.xlane v3, v0;
	_ =	sdelay $0x1  }
0x152: {  	v4 =	vadd.s32 v1, v4;
	_ =	sdelay $0x3  }
0x153: {  	s25 =	simm.s32 $0xC100  }
0x154: {  	[tilespmem:s25], [sflag:$0x2] =	stream.indirect_vreg.gather [hbm4b:s1+s23], $0x80, v4, vm0, $0xb8;
	[tilespmem:$0x18100] =	vst v63  }
0x155: {  	s26 =	simm.s32 $0xC900;
	v3 =	vperm.xlane v3, v2  }
0x156: {  	[tilespmem:s26], [sflag:$0x2] =	stream.indirect_vreg.gather [hbm4b:s5+s23], $0x80, v4, vm0, $0xb8;
	[tilespmem:$0x18100] =	vst v63  }
0x157: {  	s29 =	simm.s32 $0xD100;
	v3 =	vadd.s32 v1, v3  }
0x158: {  	[tilespmem:s29], [sflag:$0x2] =	stream.indirect_vreg.gather [hbm4b:s6+s23], $0x80, v4, vm0, $0xb8;
	[tilespmem:$0x18100] =	vst v63  }
0x159: {  	s25 =	simm.s32 $0xD900  }
0x15a: {  	[tilespmem:s25], [sflag:$0x2] =	stream.indirect_vreg.gather [hbm4b:s7+s23], $0x80, v4, vm0, $0xb8;
	[tilespmem:$0x18100] =	vst v63  }
0x15b: {  	s26 =	simm.s32 $0xE100  }
0x15c: {  	[tilespmem:s26], [sflag:$0x2] =	stream.indirect_vreg.gather [hbm4b:s1+s23], $0x80, v3, vm0, $0xb8;
	[tilespmem:$0x18100] =	vst v63  }
0x15d: {  	_ = 	snop  }
0x15e: {  	[tilespmem:s30], [sflag:$0x2] =	stream.indirect_vreg.gather [hbm4b:s5+s23], $0x80, v3, vm0, $0xb8;
	[tilespmem:$0x18100] =	vst v63  }
0x15f: {  	_ = 	snop  }
0x160: {  	[tilespmem:s31], [sflag:$0x2] =	stream.indirect_vreg.gather [hbm4b:s6+s23], $0x80, v3, vm0, $0xb8;
	[tilespmem:$0x18100] =	vst v63  }
0x161: {  	_ = 	snop  }
0x162: {  	[tilespmem:s0], [sflag:$0x2] =	stream.indirect_vreg.gather [hbm4b:s7+s23], $0x80, v3, vm0, $0xb8;
	[tilespmem:$0x18100] =	vst v63  }
0x163: {  	s29 =	simm.s32 $0x10100  }
0x164: {  	[hbm4b:s10+s4] =	stream.strided.scatter [tilespmem:s29], [sflag:$0x6], $0x400, s16, s4, $0x38;
	[tilespmem:$0x18100] =	vst v63  }
0x165: {  	s24 =	simm.s32 $0x10500;
	s25 =	sadd.s32 $0x10, s10  }
0x166: {  	[hbm4b:s25+s4] =	stream.strided.scatter [tilespmem:s24], [sflag:$0x6], $0x400, s16, s4, $0x38;
	[tilespmem:$0x18100] =	vst v63  }
0x167: {  	s26 =	simm.s32 $0x10900;
	s29 =	sadd.s32 $0x20, s10  }
0x168: {  	[hbm4b:s29+s4] =	stream.strided.scatter [tilespmem:s26], [sflag:$0x6], $0x400, s16, s4, $0x38;
	[tilespmem:$0x18100] =	vst v63  }
0x169: {  	s24 =	simm.s32 $0x10D00;
	s25 =	sadd.s32 $0x30, s10  }
0x16a: {  	[hbm4b:s25+s4] =	stream.strided.scatter [tilespmem:s24], [sflag:$0x6], $0x400, s16, s4, $0x38;
	[tilespmem:$0x18100] =	vst v63  }
0x16b: {  	s26 =	simm.s32 $0x11100;
	s29 =	sadd.s32 $0x40, s10  }
0x16c: {  	[hbm4b:s29+s4] =	stream.strided.scatter [tilespmem:s26], [sflag:$0x6], $0x400, s16, s4, $0x38;
	[tilespmem:$0x18100] =	vst v63  }
0x16d: {  	s28 =	sadd.s32 $0x70, s10;
	s24 =	simm.s32 $0x11500;
	s25 =	sadd.s32 $0x50, s10  }
0x16e: {  	[hbm4b:s25+s4] =	stream.strided.scatter [tilespmem:s24], [sflag:$0x6], $0x400, s16, s4, $0x38;
	[tilespmem:$0x18100] =	vst v63  }
0x16f: {  	s23 =	simm.s32 $0x2000;
	s26 =	simm.s32 $0x11900;
	s29 =	sadd.s32 $0x60, s10  }
0x170: {  	[hbm4b:s29+s4] =	stream.strided.scatter [tilespmem:s26], [sflag:$0x6], $0x400, s16, s4, $0x38;
	[tilespmem:$0x18100] =	vst v63  }
0x171: {  	s25 =	simm.s32 $0x10000;
	s24 =	sadd.s32 $0x400, s10;
	s26 =	simm.s32 $0x11D00  }
.LBB2_6:
0x172: {  	[hbm4b:s28+s4] =	stream.strided.scatter [tilespmem:s26], [sflag:$0x6], $0x400, s16, s4, $0x38;
	[tilespmem:$0x18100] =	vst v63  }
0x173: {  	s26 =	smov.u32 s23;
	s23 =	smov.u32 s25  }
0x174: {  	s29 =	sadd.s32 $0x8000, s25;
	s23 =	sshra.s32 s23, $0x2;
	s28 =	sadd.s32 $0x10100, s26  }
0x175: {  	[hbm4b:s24+s4] =	stream.strided.scatter [tilespmem:s28], [sflag:$0x6], $0x400, s16, s4, $0x38;
	[tilespmem:$0x18100] =	vst v63  }
0x176: {  	p0 =	sne.s32 s25, $0x18000;
	s25 =	sadd.s32 $0x10500, s26;
	s28 =	sadd.s32 $0x10, s24  }
0x177: {  	[hbm4b:s28+s4] =	stream.strided.scatter [tilespmem:s25], [sflag:$0x6], $0x400, s16, s4, $0x38;
	[tilespmem:$0x18100] =	vst v63  }
0x178: {  	s25 =	sadd.s32 $0x10900, s26;
	s28 =	sadd.s32 $0x20, s24  }
0x179: {  	[hbm4b:s28+s4] =	stream.strided.scatter [tilespmem:s25], [sflag:$0x6], $0x400, s16, s4, $0x38;
	[tilespmem:$0x18100] =	vst v63  }
0x17a: {  	s25 =	sadd.s32 $0x10D00, s26;
	s28 =	sadd.s32 $0x30, s24  }
0x17b: {  	[hbm4b:s28+s4] =	stream.strided.scatter [tilespmem:s25], [sflag:$0x6], $0x400, s16, s4, $0x38;
	[tilespmem:$0x18100] =	vst v63  }
0x17c: {  	s25 =	sadd.s32 $0x11100, s26;
	s28 =	sadd.s32 $0x40, s24  }
0x17d: {  	[hbm4b:s28+s4] =	stream.strided.scatter [tilespmem:s25], [sflag:$0x6], $0x400, s16, s4, $0x38;
	[tilespmem:$0x18100] =	vst v63  }
.Ltmp2:
0x17e: {  	s25 =	sadd.s32 $0x11500, s26;
	s28 =	sadd.s32 $0x50, s24;
	(pc) =	sbr.rel @p0 .LBB2_6-.Ltmp2, $4  }
0x17f: {  	[hbm4b:s28+s4] =	stream.strided.scatter [tilespmem:s25], [sflag:$0x6], $0x400, s16, s4, $0x38;
	[tilespmem:$0x18100] =	vst v63  }
0x180: {  	s25 =	sadd.s32 $0x11900, s26;
	s28 =	sadd.s32 $0x60, s24;
	s26 =	sadd.s32 $0x11D00, s26  }
0x181: {  	[hbm4b:s28+s4] =	stream.strided.scatter [tilespmem:s25], [sflag:$0x6], $0x400, s16, s4, $0x38;
	[tilespmem:$0x18100] =	vst v63  }
0x182: {  	s28 =	sadd.s32 $0x70, s24;
	s24 =	sadd.s32 $0x400, s24;
	s25 =	smov.u32 s29  }
0x183: {  	[hbm4b:s28+s4] =	stream.strided.scatter [tilespmem:s26], [sflag:$0x6], $0x400, s16, s4, $0x38;
	[tilespmem:$0x18100] =	vst v63  }
0x184: {  	s25 =	sadd.s32 $0x10100, s23  }
0x185: {  	[hbm4b:s24+s4] =	stream.strided.scatter [tilespmem:s25], [sflag:$0x6], $0x400, s16, s4, $0x38;
	[tilespmem:$0x18100] =	vst v63  }
0x186: {  	s26 =	sadd.s32 $0x10500, s23;
	s29 =	sadd.s32 $0x10, s24  }
0x187: {  	[hbm4b:s29+s4] =	stream.strided.scatter [tilespmem:s26], [sflag:$0x6], $0x400, s16, s4, $0x38;
	[tilespmem:$0x18100] =	vst v63  }
0x188: {  	s26 =	sadd.s32 $0x10900, s23;
	s29 =	sadd.s32 $0x20, s24  }
0x189: {  	[hbm4b:s29+s4] =	stream.strided.scatter [tilespmem:s26], [sflag:$0x6], $0x400, s16, s4, $0x38;
	[tilespmem:$0x18100] =	vst v63  }
0x18a: {  	s26 =	sadd.s32 $0x10D00, s23;
	s29 =	sadd.s32 $0x30, s24  }
0x18b: {  	[hbm4b:s29+s4] =	stream.strided.scatter [tilespmem:s26], [sflag:$0x6], $0x400, s16, s4, $0x38;
	[tilespmem:$0x18100] =	vst v63  }
0x18c: {  	s26 =	sadd.s32 $0x11100, s23;
	s29 =	sadd.s32 $0x40, s24  }
0x18d: {  	[hbm4b:s29+s4] =	stream.strided.scatter [tilespmem:s26], [sflag:$0x6], $0x400, s16, s4, $0x38;
	[tilespmem:$0x18100] =	vst v63  }
0x18e: {  	s26 =	sadd.s32 $0x11500, s23;
	s29 =	sadd.s32 $0x50, s24  }
0x18f: {  	[hbm4b:s29+s4] =	stream.strided.scatter [tilespmem:s26], [sflag:$0x6], $0x400, s16, s4, $0x38;
	[tilespmem:$0x18100] =	vst v63  }
0x190: {  	s26 =	sadd.s32 $0x11900, s23;
	s29 =	sadd.s32 $0x60, s24  }
0x191: {  	[hbm4b:s29+s4] =	stream.strided.scatter [tilespmem:s26], [sflag:$0x6], $0x400, s16, s4, $0x38;
	[tilespmem:$0x18100] =	vst v63  }
0x192: {  	s25 =	sadd.s32 $0x70, s24;
	s29 =	sadd.s32 $0x11D00, s23  }
0x193: {  	[hbm4b:s25+s4] =	stream.strided.scatter [tilespmem:s29], [sflag:$0x6], $0x400, s16, s4, $0x38;
	[tilespmem:$0x18100] =	vst v63  }
0x194: {  	_ =	swait.ge [sflag:s2], $0x8000  }
0x195: {  	[sflag:s2] =	ssyncset.done $0x0  }
0x196: {  	[sflag:s2] =	ssyncadd.s32 $0xFFFF8000  }
0x197: {  	_ =	swait.ge [sflag:s21], $0x8000  }
0x198: {  	[sflag:s21] =	ssyncset.done $0x0  }
0x199: {  	[sflag:s21] =	ssyncadd.s32 $0xFFFF8000  }
0x19a: {  	v3 =	vld [tilespmem:$0xA0];
	_ =	sdelay $0x4  }
0x19b: {  	v4 =	vshll.u32 v3, $0x3  }
0x19c: {  	v3 =	vand.u32 $0x7, v3;
	v4 =	vand.u32 $0xFFFFFFC0, v4  }
0x19d: {  	v3 =	vor.u32 v3, v4  }
0x19e: {  	v4 =	vperm.xlane v3, v0;
	_ =	sdelay $0x1  }
0x19f: {  	v4 =	vadd.s32 v1, v4;
	_ =	sdelay $0x3  }
0x1a0: {  	s23 =	simm.s32 $0x0;
	s26 =	simm.s32 $0x10100  }
0x1a1: {  	[tilespmem:s26], [sflag:$0x3] =	stream.indirect_vreg.gather [hbm4b:s1+s23], $0x80, v4, vm0, $0xb8;
	[tilespmem:$0x18100] =	vst v63  }
0x1a2: {  	s29 =	simm.s32 $0x10900;
	v3 =	vperm.xlane v3, v2  }
0x1a3: {  	[tilespmem:s29], [sflag:$0x3] =	stream.indirect_vreg.gather [hbm4b:s5+s23], $0x80, v4, vm0, $0xb8;
	[tilespmem:$0x18100] =	vst v63  }
0x1a4: {  	s25 =	simm.s32 $0x11100;
	v3 =	vadd.s32 v1, v3  }
0x1a5: {  	[tilespmem:s25], [sflag:$0x3] =	stream.indirect_vreg.gather [hbm4b:s6+s23], $0x80, v4, vm0, $0xb8;
	[tilespmem:$0x18100] =	vst v63  }
0x1a6: {  	s26 =	simm.s32 $0x11900  }
0x1a7: {  	[tilespmem:s26], [sflag:$0x3] =	stream.indirect_vreg.gather [hbm4b:s7+s23], $0x80, v4, vm0, $0xb8;
	[tilespmem:$0x18100] =	vst v63  }
0x1a8: {  	s29 =	simm.s32 $0x12100  }
0x1a9: {  	[tilespmem:s29], [sflag:$0x3] =	stream.indirect_vreg.gather [hbm4b:s1+s23], $0x80, v3, vm0, $0xb8;
	[tilespmem:$0x18100] =	vst v63  }
0x1aa: {  	s25 =	simm.s32 $0x12900  }
0x1ab: {  	[tilespmem:s25], [sflag:$0x3] =	stream.indirect_vreg.gather [hbm4b:s5+s23], $0x80, v3, vm0, $0xb8;
	[tilespmem:$0x18100] =	vst v63  }
0x1ac: {  	s26 =	simm.s32 $0x13100  }
0x1ad: {  	[tilespmem:s26], [sflag:$0x3] =	stream.indirect_vreg.gather [hbm4b:s6+s23], $0x80, v3, vm0, $0xb8;
	[tilespmem:$0x18100] =	vst v63  }
0x1ae: {  	s29 =	simm.s32 $0x13900  }
0x1af: {  	[tilespmem:s29], [sflag:$0x3] =	stream.indirect_vreg.gather [hbm4b:s7+s23], $0x80, v3, vm0, $0xb8;
	[tilespmem:$0x18100] =	vst v63  }
0x1b0: {  	v3 =	vld [tilespmem:$0xB0];
	_ =	sdelay $0x4  }
0x1b1: {  	v63 =	vshll.u32 v3, $0x3  }
0x1b2: {  	v3 =	vand.u32 $0x7, v3;
	v4 =	vand.u32 $0xFFFFFFC0, v63  }
0x1b3: {  	v3 =	vor.u32 v3, v4  }
0x1b4: {  	v4 =	vperm.xlane v3, v0;
	_ =	sdelay $0x1  }
0x1b5: {  	v4 =	vadd.s32 v1, v4;
	_ =	sdelay $0x3  }
0x1b6: {  	s25 =	simm.s32 $0x14100  }
0x1b7: {  	[tilespmem:s25], [sflag:$0x3] =	stream.indirect_vreg.gather [hbm4b:s1+s23], $0x80, v4, vm0, $0xb8;
	[tilespmem:$0x18100] =	vst v63  }
0x1b8: {  	s26 =	simm.s32 $0x14900;
	v3 =	vperm.xlane v3, v2  }
0x1b9: {  	[tilespmem:s26], [sflag:$0x3] =	stream.indirect_vreg.gather [hbm4b:s5+s23], $0x80, v4, vm0, $0xb8;
	[tilespmem:$0x18100] =	vst v63  }
0x1ba: {  	s29 =	simm.s32 $0x15100;
	v3 =	vadd.s32 v1, v3  }
0x1bb: {  	[tilespmem:s29], [sflag:$0x3] =	stream.indirect_vreg.gather [hbm4b:s6+s23], $0x80, v4, vm0, $0xb8;
	[tilespmem:$0x18100] =	vst v63  }
0x1bc: {  	s25 =	simm.s32 $0x15900  }
0x1bd: {  	[tilespmem:s25], [sflag:$0x3] =	stream.indirect_vreg.gather [hbm4b:s7+s23], $0x80, v4, vm0, $0xb8;
	[tilespmem:$0x18100] =	vst v63  }
0x1be: {  	s26 =	simm.s32 $0x16100  }
0x1bf: {  	[tilespmem:s26], [sflag:$0x3] =	stream.indirect_vreg.gather [hbm4b:s1+s23], $0x80, v3, vm0, $0xb8;
	[tilespmem:$0x18100] =	vst v63  }
0x1c0: {  	s29 =	simm.s32 $0x16900  }
0x1c1: {  	[tilespmem:s29], [sflag:$0x3] =	stream.indirect_vreg.gather [hbm4b:s5+s23], $0x80, v3, vm0, $0xb8;
	[tilespmem:$0x18100] =	vst v63  }
0x1c2: {  	s25 =	simm.s32 $0x17100  }
0x1c3: {  	[tilespmem:s25], [sflag:$0x3] =	stream.indirect_vreg.gather [hbm4b:s6+s23], $0x80, v3, vm0, $0xb8;
	[tilespmem:$0x18100] =	vst v63  }
0x1c4: {  	s26 =	simm.s32 $0x17900  }
0x1c5: {  	[tilespmem:s26], [sflag:$0x3] =	stream.indirect_vreg.gather [hbm4b:s7+s23], $0x80, v3, vm0, $0xb8;
	[tilespmem:$0x18100] =	vst v63  }
0x1c6: {  	s29 =	simm.s32 $0x100  }
0x1c7: {  	[hbm4b:s11+s4] =	stream.strided.scatter [tilespmem:s29], [sflag:$0x4], $0x400, s16, s4, $0x38;
	[tilespmem:$0x18100] =	vst v63  }
0x1c8: {  	s24 =	simm.s32 $0x500;
	s25 =	sadd.s32 $0x10, s11  }
0x1c9: {  	[hbm4b:s25+s4] =	stream.strided.scatter [tilespmem:s24], [sflag:$0x4], $0x400, s16, s4, $0x38;
	[tilespmem:$0x18100] =	vst v63  }
0x1ca: {  	s26 =	simm.s32 $0x900;
	s29 =	sadd.s32 $0x20, s11  }
0x1cb: {  	[hbm4b:s29+s4] =	stream.strided.scatter [tilespmem:s26], [sflag:$0x4], $0x400, s16, s4, $0x38;
	[tilespmem:$0x18100] =	vst v63  }
0x1cc: {  	s24 =	simm.s32 $0xD00;
	s25 =	sadd.s32 $0x30, s11  }
0x1cd: {  	[hbm4b:s25+s4] =	stream.strided.scatter [tilespmem:s24], [sflag:$0x4], $0x400, s16, s4, $0x38;
	[tilespmem:$0x18100] =	vst v63  }
0x1ce: {  	s26 =	simm.s32 $0x1100;
	s29 =	sadd.s32 $0x40, s11  }
0x1cf: {  	[hbm4b:s29+s4] =	stream.strided.scatter [tilespmem:s26], [sflag:$0x4], $0x400, s16, s4, $0x38;
	[tilespmem:$0x18100] =	vst v63  }
0x1d0: {  	s28 =	sadd.s32 $0x70, s11;
	s24 =	simm.s32 $0x1500;
	s25 =	sadd.s32 $0x50, s11  }
0x1d1: {  	[hbm4b:s25+s4] =	stream.strided.scatter [tilespmem:s24], [sflag:$0x4], $0x400, s16, s4, $0x38;
	[tilespmem:$0x18100] =	vst v63  }
0x1d2: {  	s23 =	simm.s32 $0x2000;
	s26 =	simm.s32 $0x1900;
	s29 =	sadd.s32 $0x60, s11  }
0x1d3: {  	[hbm4b:s29+s4] =	stream.strided.scatter [tilespmem:s26], [sflag:$0x4], $0x400, s16, s4, $0x38;
	[tilespmem:$0x18100] =	vst v63  }
0x1d4: {  	s25 =	simm.s32 $0x10000;
	s24 =	sadd.s32 $0x400, s11;
	s26 =	simm.s32 $0x1D00  }
.LBB2_8:
0x1d5: {  	[hbm4b:s28+s4] =	stream.strided.scatter [tilespmem:s26], [sflag:$0x4], $0x400, s16, s4, $0x38;
	[tilespmem:$0x18100] =	vst v63  }
0x1d6: {  	s26 =	smov.u32 s23;
	s23 =	smov.u32 s25  }
0x1d7: {  	s29 =	sadd.s32 $0x8000, s25;
	s23 =	sshra.s32 s23, $0x2;
	s28 =	sadd.s32 $0x100, s26  }
0x1d8: {  	[hbm4b:s24+s4] =	stream.strided.scatter [tilespmem:s28], [sflag:$0x4], $0x400, s16, s4, $0x38;
	[tilespmem:$0x18100] =	vst v63  }
0x1d9: {  	p0 =	sne.s32 s25, $0x18000;
	s25 =	sadd.s32 $0x500, s26;
	s28 =	sadd.s32 $0x10, s24  }
0x1da: {  	[hbm4b:s28+s4] =	stream.strided.scatter [tilespmem:s25], [sflag:$0x4], $0x400, s16, s4, $0x38;
	[tilespmem:$0x18100] =	vst v63  }
0x1db: {  	s25 =	sadd.s32 $0x900, s26;
	s28 =	sadd.s32 $0x20, s24  }
0x1dc: {  	[hbm4b:s28+s4] =	stream.strided.scatter [tilespmem:s25], [sflag:$0x4], $0x400, s16, s4, $0x38;
	[tilespmem:$0x18100] =	vst v63  }
0x1dd: {  	s25 =	sadd.s32 $0xD00, s26;
	s28 =	sadd.s32 $0x30, s24  }
0x1de: {  	[hbm4b:s28+s4] =	stream.strided.scatter [tilespmem:s25], [sflag:$0x4], $0x400, s16, s4, $0x38;
	[tilespmem:$0x18100] =	vst v63  }
0x1df: {  	s25 =	sadd.s32 $0x1100, s26;
	s28 =	sadd.s32 $0x40, s24  }
0x1e0: {  	[hbm4b:s28+s4] =	stream.strided.scatter [tilespmem:s25], [sflag:$0x4], $0x400, s16, s4, $0x38;
	[tilespmem:$0x18100] =	vst v63  }
.Ltmp3:
0x1e1: {  	s25 =	sadd.s32 $0x1500, s26;
	s28 =	sadd.s32 $0x50, s24;
	(pc) =	sbr.rel @p0 .LBB2_8-.Ltmp3, $4  }
0x1e2: {  	[hbm4b:s28+s4] =	stream.strided.scatter [tilespmem:s25], [sflag:$0x4], $0x400, s16, s4, $0x38;
	[tilespmem:$0x18100] =	vst v63  }
0x1e3: {  	s25 =	sadd.s32 $0x1900, s26;
	s28 =	sadd.s32 $0x60, s24;
	s26 =	sadd.s32 $0x1D00, s26  }
0x1e4: {  	[hbm4b:s28+s4] =	stream.strided.scatter [tilespmem:s25], [sflag:$0x4], $0x400, s16, s4, $0x38;
	[tilespmem:$0x18100] =	vst v63  }
0x1e5: {  	s28 =	sadd.s32 $0x70, s24;
	s24 =	sadd.s32 $0x400, s24;
	s25 =	smov.u32 s29  }
0x1e6: {  	[hbm4b:s28+s4] =	stream.strided.scatter [tilespmem:s26], [sflag:$0x4], $0x400, s16, s4, $0x38;
	[tilespmem:$0x18100] =	vst v63  }
0x1e7: {  	s25 =	sadd.s32 $0x100, s23  }
0x1e8: {  	[hbm4b:s24+s4] =	stream.strided.scatter [tilespmem:s25], [sflag:$0x4], $0x400, s16, s4, $0x38;
	[tilespmem:$0x18100] =	vst v63  }
0x1e9: {  	s26 =	sadd.s32 $0x500, s23;
	s29 =	sadd.s32 $0x10, s24  }
0x1ea: {  	[hbm4b:s29+s4] =	stream.strided.scatter [tilespmem:s26], [sflag:$0x4], $0x400, s16, s4, $0x38;
	[tilespmem:$0x18100] =	vst v63  }
0x1eb: {  	s26 =	sadd.s32 $0x900, s23;
	s29 =	sadd.s32 $0x20, s24  }
0x1ec: {  	[hbm4b:s29+s4] =	stream.strided.scatter [tilespmem:s26], [sflag:$0x4], $0x400, s16, s4, $0x38;
	[tilespmem:$0x18100] =	vst v63  }
0x1ed: {  	s26 =	sadd.s32 $0xD00, s23;
	s29 =	sadd.s32 $0x30, s24  }
0x1ee: {  	[hbm4b:s29+s4] =	stream.strided.scatter [tilespmem:s26], [sflag:$0x4], $0x400, s16, s4, $0x38;
	[tilespmem:$0x18100] =	vst v63  }
0x1ef: {  	s26 =	sadd.s32 $0x1100, s23;
	s29 =	sadd.s32 $0x40, s24  }
0x1f0: {  	[hbm4b:s29+s4] =	stream.strided.scatter [tilespmem:s26], [sflag:$0x4], $0x400, s16, s4, $0x38;
	[tilespmem:$0x18100] =	vst v63  }
0x1f1: {  	s26 =	sadd.s32 $0x1500, s23;
	s29 =	sadd.s32 $0x50, s24  }
0x1f2: {  	[hbm4b:s29+s4] =	stream.strided.scatter [tilespmem:s26], [sflag:$0x4], $0x400, s16, s4, $0x38;
	[tilespmem:$0x18100] =	vst v63  }
0x1f3: {  	s26 =	sadd.s32 $0x1900, s23;
	s29 =	sadd.s32 $0x60, s24  }
0x1f4: {  	[hbm4b:s29+s4] =	stream.strided.scatter [tilespmem:s26], [sflag:$0x4], $0x400, s16, s4, $0x38;
	[tilespmem:$0x18100] =	vst v63  }
0x1f5: {  	s25 =	sadd.s32 $0x70, s24;
	s29 =	sadd.s32 $0x1D00, s23  }
0x1f6: {  	[hbm4b:s25+s4] =	stream.strided.scatter [tilespmem:s29], [sflag:$0x4], $0x400, s16, s4, $0x38;
	[tilespmem:$0x18100] =	vst v63  }
0x1f7: {  	_ =	swait.ge [sflag:s17], $0x8000  }
0x1f8: {  	[sflag:s17] =	ssyncset.done $0x0  }
0x1f9: {  	[sflag:s17] =	ssyncadd.s32 $0xFFFF8000  }
0x1fa: {  	_ =	swait.ge [sflag:s18], $0x8000  }
0x1fb: {  	[sflag:s18] =	ssyncset.done $0x0  }
0x1fc: {  	[sflag:s18] =	ssyncadd.s32 $0xFFFF8000  }
0x1fd: {  	v3 =	vld [tilespmem:$0xC0];
	_ =	sdelay $0x4  }
0x1fe: {  	v4 =	vshll.u32 v3, $0x3  }
0x1ff: {  	v3 =	vand.u32 $0x7, v3;
	v4 =	vand.u32 $0xFFFFFFC0, v4  }
0x200: {  	v3 =	vor.u32 v3, v4  }
0x201: {  	v4 =	vperm.xlane v3, v0;
	_ =	sdelay $0x1  }
0x202: {  	v4 =	vadd.s32 v1, v4;
	_ =	sdelay $0x3  }
0x203: {  	s23 =	simm.s32 $0x0;
	s26 =	simm.s32 $0x100  }
0x204: {  	[tilespmem:s26], [sflag:$0x1] =	stream.indirect_vreg.gather [hbm4b:s1+s23], $0x80, v4, vm0, $0xb8;
	[tilespmem:$0x18100] =	vst v63  }
0x205: {  	s29 =	simm.s32 $0x900;
	v3 =	vperm.xlane v3, v2  }
0x206: {  	[tilespmem:s29], [sflag:$0x1] =	stream.indirect_vreg.gather [hbm4b:s5+s23], $0x80, v4, vm0, $0xb8;
	[tilespmem:$0x18100] =	vst v63  }
0x207: {  	s25 =	simm.s32 $0x1100;
	v3 =	vadd.s32 v1, v3  }
0x208: {  	[tilespmem:s25], [sflag:$0x1] =	stream.indirect_vreg.gather [hbm4b:s6+s23], $0x80, v4, vm0, $0xb8;
	[tilespmem:$0x18100] =	vst v63  }
0x209: {  	s26 =	simm.s32 $0x1900  }
0x20a: {  	[tilespmem:s26], [sflag:$0x1] =	stream.indirect_vreg.gather [hbm4b:s7+s23], $0x80, v4, vm0, $0xb8;
	[tilespmem:$0x18100] =	vst v63  }
0x20b: {  	s29 =	simm.s32 $0x2100  }
0x20c: {  	[tilespmem:s29], [sflag:$0x1] =	stream.indirect_vreg.gather [hbm4b:s1+s23], $0x80, v3, vm0, $0xb8;
	[tilespmem:$0x18100] =	vst v63  }
0x20d: {  	s25 =	simm.s32 $0x2900  }
0x20e: {  	[tilespmem:s25], [sflag:$0x1] =	stream.indirect_vreg.gather [hbm4b:s5+s23], $0x80, v3, vm0, $0xb8;
	[tilespmem:$0x18100] =	vst v63  }
0x20f: {  	s26 =	simm.s32 $0x3100  }
0x210: {  	[tilespmem:s26], [sflag:$0x1] =	stream.indirect_vreg.gather [hbm4b:s6+s23], $0x80, v3, vm0, $0xb8;
	[tilespmem:$0x18100] =	vst v63  }
0x211: {  	s29 =	simm.s32 $0x3900  }
0x212: {  	[tilespmem:s29], [sflag:$0x1] =	stream.indirect_vreg.gather [hbm4b:s7+s23], $0x80, v3, vm0, $0xb8;
	[tilespmem:$0x18100] =	vst v63  }
0x213: {  	v3 =	vld [tilespmem:$0xD0];
	_ =	sdelay $0x4  }
0x214: {  	v63 =	vshll.u32 v3, $0x3  }
0x215: {  	v3 =	vand.u32 $0x7, v3;
	v4 =	vand.u32 $0xFFFFFFC0, v63  }
0x216: {  	v3 =	vor.u32 v3, v4  }
0x217: {  	v4 =	vperm.xlane v3, v0;
	_ =	sdelay $0x1  }
0x218: {  	v4 =	vadd.s32 v1, v4;
	_ =	sdelay $0x3  }
0x219: {  	s25 =	simm.s32 $0x4100  }
0x21a: {  	[tilespmem:s25], [sflag:$0x1] =	stream.indirect_vreg.gather [hbm4b:s1+s23], $0x80, v4, vm0, $0xb8;
	[tilespmem:$0x18100] =	vst v63  }
0x21b: {  	s26 =	simm.s32 $0x4900;
	v3 =	vperm.xlane v3, v2  }
0x21c: {  	[tilespmem:s26], [sflag:$0x1] =	stream.indirect_vreg.gather [hbm4b:s5+s23], $0x80, v4, vm0, $0xb8;
	[tilespmem:$0x18100] =	vst v63  }
0x21d: {  	s29 =	simm.s32 $0x5100;
	v3 =	vadd.s32 v1, v3  }
0x21e: {  	[tilespmem:s29], [sflag:$0x1] =	stream.indirect_vreg.gather [hbm4b:s6+s23], $0x80, v4, vm0, $0xb8;
	[tilespmem:$0x18100] =	vst v63  }
0x21f: {  	s25 =	simm.s32 $0x5900  }
0x220: {  	[tilespmem:s25], [sflag:$0x1] =	stream.indirect_vreg.gather [hbm4b:s7+s23], $0x80, v4, vm0, $0xb8;
	[tilespmem:$0x18100] =	vst v63  }
0x221: {  	s26 =	simm.s32 $0x6100  }
0x222: {  	[tilespmem:s26], [sflag:$0x1] =	stream.indirect_vreg.gather [hbm4b:s1+s23], $0x80, v3, vm0, $0xb8;
	[tilespmem:$0x18100] =	vst v63  }
0x223: {  	s29 =	simm.s32 $0x6900  }
0x224: {  	[tilespmem:s29], [sflag:$0x1] =	stream.indirect_vreg.gather [hbm4b:s5+s23], $0x80, v3, vm0, $0xb8;
	[tilespmem:$0x18100] =	vst v63  }
0x225: {  	s25 =	simm.s32 $0x7100  }
0x226: {  	[tilespmem:s25], [sflag:$0x1] =	stream.indirect_vreg.gather [hbm4b:s6+s23], $0x80, v3, vm0, $0xb8;
	[tilespmem:$0x18100] =	vst v63  }
0x227: {  	s26 =	simm.s32 $0x7900  }
0x228: {  	[tilespmem:s26], [sflag:$0x1] =	stream.indirect_vreg.gather [hbm4b:s7+s23], $0x80, v3, vm0, $0xb8;
	[tilespmem:$0x18100] =	vst v63  }
0x229: {  	s29 =	simm.s32 $0x8100  }
0x22a: {  	[hbm4b:s12+s4] =	stream.strided.scatter [tilespmem:s29], [sflag:$0x5], $0x400, s16, s4, $0x38;
	[tilespmem:$0x18100] =	vst v63  }
0x22b: {  	s24 =	simm.s32 $0x8500;
	s25 =	sadd.s32 $0x10, s12  }
0x22c: {  	[hbm4b:s25+s4] =	stream.strided.scatter [tilespmem:s24], [sflag:$0x5], $0x400, s16, s4, $0x38;
	[tilespmem:$0x18100] =	vst v63  }
0x22d: {  	s26 =	simm.s32 $0x8900;
	s29 =	sadd.s32 $0x20, s12  }
0x22e: {  	[hbm4b:s29+s4] =	stream.strided.scatter [tilespmem:s26], [sflag:$0x5], $0x400, s16, s4, $0x38;
	[tilespmem:$0x18100] =	vst v63  }
0x22f: {  	s24 =	simm.s32 $0x8D00;
	s25 =	sadd.s32 $0x30, s12  }
0x230: {  	[hbm4b:s25+s4] =	stream.strided.scatter [tilespmem:s24], [sflag:$0x5], $0x400, s16, s4, $0x38;
	[tilespmem:$0x18100] =	vst v63  }
0x231: {  	s26 =	simm.s32 $0x9100;
	s29 =	sadd.s32 $0x40, s12  }
0x232: {  	[hbm4b:s29+s4] =	stream.strided.scatter [tilespmem:s26], [sflag:$0x5], $0x400, s16, s4, $0x38;
	[tilespmem:$0x18100] =	vst v63  }
0x233: {  	s28 =	sadd.s32 $0x70, s12;
	s24 =	simm.s32 $0x9500;
	s25 =	sadd.s32 $0x50, s12  }
0x234: {  	[hbm4b:s25+s4] =	stream.strided.scatter [tilespmem:s24], [sflag:$0x5], $0x400, s16, s4, $0x38;
	[tilespmem:$0x18100] =	vst v63  }
0x235: {  	s23 =	simm.s32 $0x2000;
	s26 =	simm.s32 $0x9900;
	s29 =	sadd.s32 $0x60, s12  }
0x236: {  	[hbm4b:s29+s4] =	stream.strided.scatter [tilespmem:s26], [sflag:$0x5], $0x400, s16, s4, $0x38;
	[tilespmem:$0x18100] =	vst v63  }
0x237: {  	s25 =	simm.s32 $0x10000;
	s24 =	sadd.s32 $0x400, s12;
	s26 =	simm.s32 $0x9D00  }
.LBB2_10:
0x238: {  	[hbm4b:s28+s4] =	stream.strided.scatter [tilespmem:s26], [sflag:$0x5], $0x400, s16, s4, $0x38;
	[tilespmem:$0x18100] =	vst v63  }
0x239: {  	s26 =	smov.u32 s23;
	s23 =	smov.u32 s25  }
0x23a: {  	s29 =	sadd.s32 $0x8000, s25;
	s23 =	sshra.s32 s23, $0x2;
	s28 =	sadd.s32 $0x8100, s26  }
0x23b: {  	[hbm4b:s24+s4] =	stream.strided.scatter [tilespmem:s28], [sflag:$0x5], $0x400, s16, s4, $0x38;
	[tilespmem:$0x18100] =	vst v63  }
0x23c: {  	p0 =	sne.s32 s25, $0x18000;
	s25 =	sadd.s32 $0x8500, s26;
	s28 =	sadd.s32 $0x10, s24  }
0x23d: {  	[hbm4b:s28+s4] =	stream.strided.scatter [tilespmem:s25], [sflag:$0x5], $0x400, s16, s4, $0x38;
	[tilespmem:$0x18100] =	vst v63  }
0x23e: {  	s25 =	sadd.s32 $0x8900, s26;
	s28 =	sadd.s32 $0x20, s24  }
0x23f: {  	[hbm4b:s28+s4] =	stream.strided.scatter [tilespmem:s25], [sflag:$0x5], $0x400, s16, s4, $0x38;
	[tilespmem:$0x18100] =	vst v63  }
0x240: {  	s25 =	sadd.s32 $0x8D00, s26;
	s28 =	sadd.s32 $0x30, s24  }
0x241: {  	[hbm4b:s28+s4] =	stream.strided.scatter [tilespmem:s25], [sflag:$0x5], $0x400, s16, s4, $0x38;
	[tilespmem:$0x18100] =	vst v63  }
0x242: {  	s25 =	sadd.s32 $0x9100, s26;
	s28 =	sadd.s32 $0x40, s24  }
0x243: {  	[hbm4b:s28+s4] =	stream.strided.scatter [tilespmem:s25], [sflag:$0x5], $0x400, s16, s4, $0x38;
	[tilespmem:$0x18100] =	vst v63  }
.Ltmp4:
0x244: {  	s25 =	sadd.s32 $0x9500, s26;
	s28 =	sadd.s32 $0x50, s24;
	(pc) =	sbr.rel @p0 .LBB2_10-.Ltmp4, $4  }
0x245: {  	[hbm4b:s28+s4] =	stream.strided.scatter [tilespmem:s25], [sflag:$0x5], $0x400, s16, s4, $0x38;
	[tilespmem:$0x18100] =	vst v63  }
0x246: {  	s25 =	sadd.s32 $0x9900, s26;
	s28 =	sadd.s32 $0x60, s24;
	s26 =	sadd.s32 $0x9D00, s26  }
0x247: {  	[hbm4b:s28+s4] =	stream.strided.scatter [tilespmem:s25], [sflag:$0x5], $0x400, s16, s4, $0x38;
	[tilespmem:$0x18100] =	vst v63  }
0x248: {  	s28 =	sadd.s32 $0x70, s24;
	s24 =	sadd.s32 $0x400, s24;
	s25 =	smov.u32 s29  }
0x249: {  	[hbm4b:s28+s4] =	stream.strided.scatter [tilespmem:s26], [sflag:$0x5], $0x400, s16, s4, $0x38;
	[tilespmem:$0x18100] =	vst v63  }
0x24a: {  	s25 =	sadd.s32 $0x8100, s23  }
0x24b: {  	[hbm4b:s24+s4] =	stream.strided.scatter [tilespmem:s25], [sflag:$0x5], $0x400, s16, s4, $0x38;
	[tilespmem:$0x18100] =	vst v63  }
0x24c: {  	s26 =	sadd.s32 $0x8500, s23;
	s29 =	sadd.s32 $0x10, s24  }
0x24d: {  	[hbm4b:s29+s4] =	stream.strided.scatter [tilespmem:s26], [sflag:$0x5], $0x400, s16, s4, $0x38;
	[tilespmem:$0x18100] =	vst v63  }
0x24e: {  	s26 =	sadd.s32 $0x8900, s23;
	s29 =	sadd.s32 $0x20, s24  }
0x24f: {  	[hbm4b:s29+s4] =	stream.strided.scatter [tilespmem:s26], [sflag:$0x5], $0x400, s16, s4, $0x38;
	[tilespmem:$0x18100] =	vst v63  }
0x250: {  	s26 =	sadd.s32 $0x8D00, s23;
	s29 =	sadd.s32 $0x30, s24  }
0x251: {  	[hbm4b:s29+s4] =	stream.strided.scatter [tilespmem:s26], [sflag:$0x5], $0x400, s16, s4, $0x38;
	[tilespmem:$0x18100] =	vst v63  }
0x252: {  	s26 =	sadd.s32 $0x9100, s23;
	s29 =	sadd.s32 $0x40, s24  }
0x253: {  	[hbm4b:s29+s4] =	stream.strided.scatter [tilespmem:s26], [sflag:$0x5], $0x400, s16, s4, $0x38;
	[tilespmem:$0x18100] =	vst v63  }
0x254: {  	s26 =	sadd.s32 $0x9500, s23;
	s29 =	sadd.s32 $0x50, s24  }
0x255: {  	[hbm4b:s29+s4] =	stream.strided.scatter [tilespmem:s26], [sflag:$0x5], $0x400, s16, s4, $0x38;
	[tilespmem:$0x18100] =	vst v63  }
0x256: {  	s26 =	sadd.s32 $0x9900, s23;
	s29 =	sadd.s32 $0x60, s24  }
0x257: {  	[hbm4b:s29+s4] =	stream.strided.scatter [tilespmem:s26], [sflag:$0x5], $0x400, s16, s4, $0x38;
	[tilespmem:$0x18100] =	vst v63  }
0x258: {  	s25 =	sadd.s32 $0x70, s24;
	s29 =	sadd.s32 $0x9D00, s23  }
0x259: {  	[hbm4b:s25+s4] =	stream.strided.scatter [tilespmem:s29], [sflag:$0x5], $0x400, s16, s4, $0x38;
	[tilespmem:$0x18100] =	vst v63  }
0x25a: {  	_ =	swait.ge [sflag:s19], $0x8000  }
0x25b: {  	[sflag:s19] =	ssyncset.done $0x0  }
0x25c: {  	[sflag:s19] =	ssyncadd.s32 $0xFFFF8000  }
0x25d: {  	_ =	swait.ge [sflag:s20], $0x8000  }
0x25e: {  	[sflag:s20] =	ssyncset.done $0x0  }
0x25f: {  	[sflag:s20] =	ssyncadd.s32 $0xFFFF8000  }
0x260: {  	v3 =	vld [tilespmem:$0xE0];
	_ =	sdelay $0x4  }
0x261: {  	v4 =	vshll.u32 v3, $0x3  }
0x262: {  	v3 =	vand.u32 $0x7, v3;
	v4 =	vand.u32 $0xFFFFFFC0, v4  }
0x263: {  	v3 =	vor.u32 v3, v4  }
0x264: {  	v4 =	vperm.xlane v3, v0;
	_ =	sdelay $0x1  }
0x265: {  	v4 =	vadd.s32 v1, v4;
	_ =	sdelay $0x3  }
0x266: {  	s23 =	simm.s32 $0x0;
	s26 =	simm.s32 $0x8100  }
0x267: {  	[tilespmem:s26], [sflag:$0x2] =	stream.indirect_vreg.gather [hbm4b:s1+s23], $0x80, v4, vm0, $0xb8;
	[tilespmem:$0x18100] =	vst v63  }
0x268: {  	s29 =	simm.s32 $0x8900;
	v3 =	vperm.xlane v3, v2  }
0x269: {  	[tilespmem:s29], [sflag:$0x2] =	stream.indirect_vreg.gather [hbm4b:s5+s23], $0x80, v4, vm0, $0xb8;
	[tilespmem:$0x18100] =	vst v63  }
0x26a: {  	s25 =	simm.s32 $0x9100;
	v3 =	vadd.s32 v1, v3  }
0x26b: {  	[tilespmem:s25], [sflag:$0x2] =	stream.indirect_vreg.gather [hbm4b:s6+s23], $0x80, v4, vm0, $0xb8;
	[tilespmem:$0x18100] =	vst v63  }
0x26c: {  	s26 =	simm.s32 $0x9900  }
0x26d: {  	[tilespmem:s26], [sflag:$0x2] =	stream.indirect_vreg.gather [hbm4b:s7+s23], $0x80, v4, vm0, $0xb8;
	[tilespmem:$0x18100] =	vst v63  }
0x26e: {  	s29 =	simm.s32 $0xA100  }
0x26f: {  	[tilespmem:s29], [sflag:$0x2] =	stream.indirect_vreg.gather [hbm4b:s1+s23], $0x80, v3, vm0, $0xb8;
	[tilespmem:$0x18100] =	vst v63  }
0x270: {  	s25 =	simm.s32 $0xA900  }
0x271: {  	[tilespmem:s25], [sflag:$0x2] =	stream.indirect_vreg.gather [hbm4b:s5+s23], $0x80, v3, vm0, $0xb8;
	[tilespmem:$0x18100] =	vst v63  }
0x272: {  	s26 =	simm.s32 $0xB100  }
0x273: {  	[tilespmem:s26], [sflag:$0x2] =	stream.indirect_vreg.gather [hbm4b:s6+s23], $0x80, v3, vm0, $0xb8;
	[tilespmem:$0x18100] =	vst v63  }
0x274: {  	s29 =	simm.s32 $0xB900  }
0x275: {  	[tilespmem:s29], [sflag:$0x2] =	stream.indirect_vreg.gather [hbm4b:s7+s23], $0x80, v3, vm0, $0xb8;
	[tilespmem:$0x18100] =	vst v63  }
0x276: {  	v3 =	vld [tilespmem:$0xF0];
	_ =	sdelay $0x4  }
0x277: {  	v63 =	vshll.u32 v3, $0x3  }
0x278: {  	v3 =	vand.u32 $0x7, v3;
	v4 =	vand.u32 $0xFFFFFFC0, v63  }
0x279: {  	v3 =	vor.u32 v3, v4  }
0x27a: {  	v4 =	vperm.xlane v3, v0;
	_ =	sdelay $0x1  }
0x27b: {  	v4 =	vadd.s32 v1, v4;
	_ =	sdelay $0x3  }
0x27c: {  	s25 =	simm.s32 $0xC100  }
0x27d: {  	[tilespmem:s25], [sflag:$0x2] =	stream.indirect_vreg.gather [hbm4b:s1+s23], $0x80, v4, vm0, $0xb8;
	[tilespmem:$0x18100] =	vst v63  }
0x27e: {  	s26 =	simm.s32 $0xC900;
	v3 =	vperm.xlane v3, v2  }
0x27f: {  	[tilespmem:s26], [sflag:$0x2] =	stream.indirect_vreg.gather [hbm4b:s5+s23], $0x80, v4, vm0, $0xb8;
	[tilespmem:$0x18100] =	vst v63  }
0x280: {  	s29 =	simm.s32 $0xD100;
	v3 =	vadd.s32 v1, v3  }
0x281: {  	[tilespmem:s29], [sflag:$0x2] =	stream.indirect_vreg.gather [hbm4b:s6+s23], $0x80, v4, vm0, $0xb8;
	[tilespmem:$0x18100] =	vst v63  }
0x282: {  	s25 =	simm.s32 $0xD900  }
0x283: {  	[tilespmem:s25], [sflag:$0x2] =	stream.indirect_vreg.gather [hbm4b:s7+s23], $0x80, v4, vm0, $0xb8;
	[tilespmem:$0x18100] =	vst v63  }
0x284: {  	s26 =	simm.s32 $0xE100  }
0x285: {  	[tilespmem:s26], [sflag:$0x2] =	stream.indirect_vreg.gather [hbm4b:s1+s23], $0x80, v3, vm0, $0xb8;
	[tilespmem:$0x18100] =	vst v63  }
0x286: {  	_ = 	snop  }
0x287: {  	[tilespmem:s30], [sflag:$0x2] =	stream.indirect_vreg.gather [hbm4b:s5+s23], $0x80, v3, vm0, $0xb8;
	[tilespmem:$0x18100] =	vst v63  }
0x288: {  	_ = 	snop  }
0x289: {  	[tilespmem:s31], [sflag:$0x2] =	stream.indirect_vreg.gather [hbm4b:s6+s23], $0x80, v3, vm0, $0xb8;
	[tilespmem:$0x18100] =	vst v63  }
0x28a: {  	_ = 	snop  }
0x28b: {  	[tilespmem:s0], [sflag:$0x2] =	stream.indirect_vreg.gather [hbm4b:s7+s23], $0x80, v3, vm0, $0xb8;
	[tilespmem:$0x18100] =	vst v63  }
0x28c: {  	s29 =	simm.s32 $0x10100  }
0x28d: {  	[hbm4b:s13+s4] =	stream.strided.scatter [tilespmem:s29], [sflag:$0x6], $0x400, s16, s4, $0x38;
	[tilespmem:$0x18100] =	vst v63  }
0x28e: {  	s24 =	simm.s32 $0x10500;
	s25 =	sadd.s32 $0x10, s13  }
0x28f: {  	[hbm4b:s25+s4] =	stream.strided.scatter [tilespmem:s24], [sflag:$0x6], $0x400, s16, s4, $0x38;
	[tilespmem:$0x18100] =	vst v63  }
0x290: {  	s26 =	simm.s32 $0x10900;
	s29 =	sadd.s32 $0x20, s13  }
0x291: {  	[hbm4b:s29+s4] =	stream.strided.scatter [tilespmem:s26], [sflag:$0x6], $0x400, s16, s4, $0x38;
	[tilespmem:$0x18100] =	vst v63  }
0x292: {  	s24 =	simm.s32 $0x10D00;
	s25 =	sadd.s32 $0x30, s13  }
0x293: {  	[hbm4b:s25+s4] =	stream.strided.scatter [tilespmem:s24], [sflag:$0x6], $0x400, s16, s4, $0x38;
	[tilespmem:$0x18100] =	vst v63  }
0x294: {  	s26 =	simm.s32 $0x11100;
	s29 =	sadd.s32 $0x40, s13  }
0x295: {  	[hbm4b:s29+s4] =	stream.strided.scatter [tilespmem:s26], [sflag:$0x6], $0x400, s16, s4, $0x38;
	[tilespmem:$0x18100] =	vst v63  }
0x296: {  	s28 =	sadd.s32 $0x70, s13;
	s24 =	simm.s32 $0x11500;
	s25 =	sadd.s32 $0x50, s13  }
0x297: {  	[hbm4b:s25+s4] =	stream.strided.scatter [tilespmem:s24], [sflag:$0x6], $0x400, s16, s4, $0x38;
	[tilespmem:$0x18100] =	vst v63  }
0x298: {  	s23 =	simm.s32 $0x2000;
	s26 =	simm.s32 $0x11900;
	s29 =	sadd.s32 $0x60, s13  }
0x299: {  	[hbm4b:s29+s4] =	stream.strided.scatter [tilespmem:s26], [sflag:$0x6], $0x400, s16, s4, $0x38;
	[tilespmem:$0x18100] =	vst v63  }
0x29a: {  	s25 =	simm.s32 $0x10000;
	s24 =	sadd.s32 $0x400, s13;
	s26 =	simm.s32 $0x11D00  }
.LBB2_12:
0x29b: {  	[hbm4b:s28+s4] =	stream.strided.scatter [tilespmem:s26], [sflag:$0x6], $0x400, s16, s4, $0x38;
	[tilespmem:$0x18100] =	vst v63  }
0x29c: {  	s26 =	smov.u32 s23;
	s23 =	smov.u32 s25  }
0x29d: {  	s29 =	sadd.s32 $0x8000, s25;
	s23 =	sshra.s32 s23, $0x2;
	s28 =	sadd.s32 $0x10100, s26  }
0x29e: {  	[hbm4b:s24+s4] =	stream.strided.scatter [tilespmem:s28], [sflag:$0x6], $0x400, s16, s4, $0x38;
	[tilespmem:$0x18100] =	vst v63  }
0x29f: {  	p0 =	sne.s32 s25, $0x18000;
	s25 =	sadd.s32 $0x10500, s26;
	s28 =	sadd.s32 $0x10, s24  }
0x2a0: {  	[hbm4b:s28+s4] =	stream.strided.scatter [tilespmem:s25], [sflag:$0x6], $0x400, s16, s4, $0x38;
	[tilespmem:$0x18100] =	vst v63  }
0x2a1: {  	s25 =	sadd.s32 $0x10900, s26;
	s28 =	sadd.s32 $0x20, s24  }
0x2a2: {  	[hbm4b:s28+s4] =	stream.strided.scatter [tilespmem:s25], [sflag:$0x6], $0x400, s16, s4, $0x38;
	[tilespmem:$0x18100] =	vst v63  }
0x2a3: {  	s25 =	sadd.s32 $0x10D00, s26;
	s28 =	sadd.s32 $0x30, s24  }
0x2a4: {  	[hbm4b:s28+s4] =	stream.strided.scatter [tilespmem:s25], [sflag:$0x6], $0x400, s16, s4, $0x38;
	[tilespmem:$0x18100] =	vst v63  }
0x2a5: {  	s25 =	sadd.s32 $0x11100, s26;
	s28 =	sadd.s32 $0x40, s24  }
0x2a6: {  	[hbm4b:s28+s4] =	stream.strided.scatter [tilespmem:s25], [sflag:$0x6], $0x400, s16, s4, $0x38;
	[tilespmem:$0x18100] =	vst v63  }
.Ltmp5:
0x2a7: {  	s25 =	sadd.s32 $0x11500, s26;
	s28 =	sadd.s32 $0x50, s24;
	(pc) =	sbr.rel @p0 .LBB2_12-.Ltmp5, $4  }
0x2a8: {  	[hbm4b:s28+s4] =	stream.strided.scatter [tilespmem:s25], [sflag:$0x6], $0x400, s16, s4, $0x38;
	[tilespmem:$0x18100] =	vst v63  }
0x2a9: {  	s25 =	sadd.s32 $0x11900, s26;
	s28 =	sadd.s32 $0x60, s24;
	s26 =	sadd.s32 $0x11D00, s26  }
0x2aa: {  	[hbm4b:s28+s4] =	stream.strided.scatter [tilespmem:s25], [sflag:$0x6], $0x400, s16, s4, $0x38;
	[tilespmem:$0x18100] =	vst v63  }
0x2ab: {  	s28 =	sadd.s32 $0x70, s24;
	s24 =	sadd.s32 $0x400, s24;
	s25 =	smov.u32 s29  }
0x2ac: {  	[hbm4b:s28+s4] =	stream.strided.scatter [tilespmem:s26], [sflag:$0x6], $0x400, s16, s4, $0x38;
	[tilespmem:$0x18100] =	vst v63  }
0x2ad: {  	s25 =	sadd.s32 $0x10100, s23  }
0x2ae: {  	[hbm4b:s24+s4] =	stream.strided.scatter [tilespmem:s25], [sflag:$0x6], $0x400, s16, s4, $0x38;
	[tilespmem:$0x18100] =	vst v63  }
0x2af: {  	s26 =	sadd.s32 $0x10500, s23;
	s29 =	sadd.s32 $0x10, s24  }
0x2b0: {  	[hbm4b:s29+s4] =	stream.strided.scatter [tilespmem:s26], [sflag:$0x6], $0x400, s16, s4, $0x38;
	[tilespmem:$0x18100] =	vst v63  }
0x2b1: {  	s26 =	sadd.s32 $0x10900, s23;
	s29 =	sadd.s32 $0x20, s24  }
0x2b2: {  	[hbm4b:s29+s4] =	stream.strided.scatter [tilespmem:s26], [sflag:$0x6], $0x400, s16, s4, $0x38;
	[tilespmem:$0x18100] =	vst v63  }
0x2b3: {  	s26 =	sadd.s32 $0x10D00, s23;
	s29 =	sadd.s32 $0x30, s24  }
0x2b4: {  	[hbm4b:s29+s4] =	stream.strided.scatter [tilespmem:s26], [sflag:$0x6], $0x400, s16, s4, $0x38;
	[tilespmem:$0x18100] =	vst v63  }
0x2b5: {  	s26 =	sadd.s32 $0x11100, s23;
	s29 =	sadd.s32 $0x40, s24  }
0x2b6: {  	[hbm4b:s29+s4] =	stream.strided.scatter [tilespmem:s26], [sflag:$0x6], $0x400, s16, s4, $0x38;
	[tilespmem:$0x18100] =	vst v63  }
0x2b7: {  	s26 =	sadd.s32 $0x11500, s23;
	s29 =	sadd.s32 $0x50, s24  }
0x2b8: {  	[hbm4b:s29+s4] =	stream.strided.scatter [tilespmem:s26], [sflag:$0x6], $0x400, s16, s4, $0x38;
	[tilespmem:$0x18100] =	vst v63  }
0x2b9: {  	s26 =	sadd.s32 $0x11900, s23;
	s29 =	sadd.s32 $0x60, s24  }
0x2ba: {  	[hbm4b:s29+s4] =	stream.strided.scatter [tilespmem:s26], [sflag:$0x6], $0x400, s16, s4, $0x38;
	[tilespmem:$0x18100] =	vst v63  }
0x2bb: {  	s25 =	sadd.s32 $0x11D00, s23;
	s26 =	sadd.s32 $0x70, s24  }
0x2bc: {  	[hbm4b:s26+s4] =	stream.strided.scatter [tilespmem:s25], [sflag:$0x6], $0x400, s16, s4, $0x38;
	[tilespmem:$0x18100] =	vst v63  }
0x2bd: {  	_ =	swait.ge [sflag:s2], $0x8000  }
0x2be: {  	[sflag:s2] =	ssyncset.done $0x0  }
0x2bf: {  	s29 =	simm.s32 $0x100;
	[sflag:s2] =	ssyncadd.s32 $0xFFFF8000  }
0x2c0: {  	[hbm4b:s14+s4] =	stream.strided.scatter [tilespmem:s29], [sflag:$0x4], $0x400, s16, s4, $0x38;
	[tilespmem:$0x18100] =	vst v63  }
0x2c1: {  	s24 =	simm.s32 $0x500;
	s25 =	sadd.s32 $0x10, s14  }
0x2c2: {  	[hbm4b:s25+s4] =	stream.strided.scatter [tilespmem:s24], [sflag:$0x4], $0x400, s16, s4, $0x38;
	[tilespmem:$0x18100] =	vst v63  }
0x2c3: {  	s26 =	simm.s32 $0x900;
	s29 =	sadd.s32 $0x20, s14  }
0x2c4: {  	[hbm4b:s29+s4] =	stream.strided.scatter [tilespmem:s26], [sflag:$0x4], $0x400, s16, s4, $0x38;
	[tilespmem:$0x18100] =	vst v63  }
0x2c5: {  	s24 =	simm.s32 $0xD00;
	s25 =	sadd.s32 $0x30, s14  }
0x2c6: {  	[hbm4b:s25+s4] =	stream.strided.scatter [tilespmem:s24], [sflag:$0x4], $0x400, s16, s4, $0x38;
	[tilespmem:$0x18100] =	vst v63  }
0x2c7: {  	s26 =	simm.s32 $0x1100;
	s29 =	sadd.s32 $0x40, s14  }
0x2c8: {  	[hbm4b:s29+s4] =	stream.strided.scatter [tilespmem:s26], [sflag:$0x4], $0x400, s16, s4, $0x38;
	[tilespmem:$0x18100] =	vst v63  }
0x2c9: {  	s28 =	sadd.s32 $0x70, s14;
	s24 =	simm.s32 $0x1500;
	s25 =	sadd.s32 $0x50, s14  }
0x2ca: {  	[hbm4b:s25+s4] =	stream.strided.scatter [tilespmem:s24], [sflag:$0x4], $0x400, s16, s4, $0x38;
	[tilespmem:$0x18100] =	vst v63  }
0x2cb: {  	s23 =	simm.s32 $0x2000;
	s26 =	simm.s32 $0x1900;
	s29 =	sadd.s32 $0x60, s14  }
0x2cc: {  	[hbm4b:s29+s4] =	stream.strided.scatter [tilespmem:s26], [sflag:$0x4], $0x400, s16, s4, $0x38;
	[tilespmem:$0x18100] =	vst v63  }
0x2cd: {  	s25 =	simm.s32 $0x10000;
	s24 =	sadd.s32 $0x400, s14;
	s26 =	simm.s32 $0x1D00  }
.LBB2_14:
0x2ce: {  	[hbm4b:s28+s4] =	stream.strided.scatter [tilespmem:s26], [sflag:$0x4], $0x400, s16, s4, $0x38;
	[tilespmem:$0x18100] =	vst v63  }
0x2cf: {  	s26 =	smov.u32 s23;
	s23 =	smov.u32 s25  }
0x2d0: {  	s29 =	sadd.s32 $0x8000, s25;
	s23 =	sshra.s32 s23, $0x2;
	s28 =	sadd.s32 $0x100, s26  }
0x2d1: {  	[hbm4b:s24+s4] =	stream.strided.scatter [tilespmem:s28], [sflag:$0x4], $0x400, s16, s4, $0x38;
	[tilespmem:$0x18100] =	vst v63  }
0x2d2: {  	p0 =	sne.s32 s25, $0x18000;
	s25 =	sadd.s32 $0x500, s26;
	s28 =	sadd.s32 $0x10, s24  }
0x2d3: {  	[hbm4b:s28+s4] =	stream.strided.scatter [tilespmem:s25], [sflag:$0x4], $0x400, s16, s4, $0x38;
	[tilespmem:$0x18100] =	vst v63  }
0x2d4: {  	s25 =	sadd.s32 $0x900, s26;
	s28 =	sadd.s32 $0x20, s24  }
0x2d5: {  	[hbm4b:s28+s4] =	stream.strided.scatter [tilespmem:s25], [sflag:$0x4], $0x400, s16, s4, $0x38;
	[tilespmem:$0x18100] =	vst v63  }
0x2d6: {  	s25 =	sadd.s32 $0xD00, s26;
	s28 =	sadd.s32 $0x30, s24  }
0x2d7: {  	[hbm4b:s28+s4] =	stream.strided.scatter [tilespmem:s25], [sflag:$0x4], $0x400, s16, s4, $0x38;
	[tilespmem:$0x18100] =	vst v63  }
0x2d8: {  	s25 =	sadd.s32 $0x1100, s26;
	s28 =	sadd.s32 $0x40, s24  }
0x2d9: {  	[hbm4b:s28+s4] =	stream.strided.scatter [tilespmem:s25], [sflag:$0x4], $0x400, s16, s4, $0x38;
	[tilespmem:$0x18100] =	vst v63  }
.Ltmp6:
0x2da: {  	s25 =	sadd.s32 $0x1500, s26;
	s28 =	sadd.s32 $0x50, s24;
	(pc) =	sbr.rel @p0 .LBB2_14-.Ltmp6, $4  }
0x2db: {  	[hbm4b:s28+s4] =	stream.strided.scatter [tilespmem:s25], [sflag:$0x4], $0x400, s16, s4, $0x38;
	[tilespmem:$0x18100] =	vst v63  }
0x2dc: {  	s25 =	sadd.s32 $0x1900, s26;
	s28 =	sadd.s32 $0x60, s24;
	s26 =	sadd.s32 $0x1D00, s26  }
0x2dd: {  	[hbm4b:s28+s4] =	stream.strided.scatter [tilespmem:s25], [sflag:$0x4], $0x400, s16, s4, $0x38;
	[tilespmem:$0x18100] =	vst v63  }
0x2de: {  	s28 =	sadd.s32 $0x70, s24;
	s24 =	sadd.s32 $0x400, s24;
	s25 =	smov.u32 s29  }
0x2df: {  	[hbm4b:s28+s4] =	stream.strided.scatter [tilespmem:s26], [sflag:$0x4], $0x400, s16, s4, $0x38;
	[tilespmem:$0x18100] =	vst v63  }
0x2e0: {  	s25 =	sadd.s32 $0x100, s23  }
0x2e1: {  	[hbm4b:s24+s4] =	stream.strided.scatter [tilespmem:s25], [sflag:$0x4], $0x400, s16, s4, $0x38;
	[tilespmem:$0x18100] =	vst v63  }
0x2e2: {  	s26 =	sadd.s32 $0x500, s23;
	s29 =	sadd.s32 $0x10, s24  }
0x2e3: {  	[hbm4b:s29+s4] =	stream.strided.scatter [tilespmem:s26], [sflag:$0x4], $0x400, s16, s4, $0x38;
	[tilespmem:$0x18100] =	vst v63  }
0x2e4: {  	s26 =	sadd.s32 $0x900, s23;
	s29 =	sadd.s32 $0x20, s24  }
0x2e5: {  	[hbm4b:s29+s4] =	stream.strided.scatter [tilespmem:s26], [sflag:$0x4], $0x400, s16, s4, $0x38;
	[tilespmem:$0x18100] =	vst v63  }
0x2e6: {  	s26 =	sadd.s32 $0xD00, s23;
	s29 =	sadd.s32 $0x30, s24  }
0x2e7: {  	[hbm4b:s29+s4] =	stream.strided.scatter [tilespmem:s26], [sflag:$0x4], $0x400, s16, s4, $0x38;
	[tilespmem:$0x18100] =	vst v63  }
0x2e8: {  	s26 =	sadd.s32 $0x1100, s23;
	s29 =	sadd.s32 $0x40, s24  }
0x2e9: {  	[hbm4b:s29+s4] =	stream.strided.scatter [tilespmem:s26], [sflag:$0x4], $0x400, s16, s4, $0x38;
	[tilespmem:$0x18100] =	vst v63  }
0x2ea: {  	s26 =	sadd.s32 $0x1500, s23;
	s29 =	sadd.s32 $0x50, s24  }
0x2eb: {  	[hbm4b:s29+s4] =	stream.strided.scatter [tilespmem:s26], [sflag:$0x4], $0x400, s16, s4, $0x38;
	[tilespmem:$0x18100] =	vst v63  }
0x2ec: {  	s26 =	sadd.s32 $0x1900, s23;
	s29 =	sadd.s32 $0x60, s24  }
0x2ed: {  	[hbm4b:s29+s4] =	stream.strided.scatter [tilespmem:s26], [sflag:$0x4], $0x400, s16, s4, $0x38;
	[tilespmem:$0x18100] =	vst v63  }
0x2ee: {  	s25 =	sadd.s32 $0x1D00, s23;
	s26 =	sadd.s32 $0x70, s24  }
0x2ef: {  	[hbm4b:s26+s4] =	stream.strided.scatter [tilespmem:s25], [sflag:$0x4], $0x400, s16, s4, $0x38;
	[tilespmem:$0x18100] =	vst v63  }
0x2f0: {  	_ =	swait.ge [sflag:s17], $0x8000  }
0x2f1: {  	[sflag:s17] =	ssyncset.done $0x0  }
0x2f2: {  	s29 =	simm.s32 $0x8100;
	[sflag:s17] =	ssyncadd.s32 $0xFFFF8000  }
0x2f3: {  	[hbm4b:s15+s4] =	stream.strided.scatter [tilespmem:s29], [sflag:$0x5], $0x400, s16, s4, $0x38;
	[tilespmem:$0x18100] =	vst v63  }
0x2f4: {  	s24 =	simm.s32 $0x8500;
	s25 =	sadd.s32 $0x10, s15  }
0x2f5: {  	[hbm4b:s25+s4] =	stream.strided.scatter [tilespmem:s24], [sflag:$0x5], $0x400, s16, s4, $0x38;
	[tilespmem:$0x18100] =	vst v63  }
0x2f6: {  	s26 =	simm.s32 $0x8900;
	s29 =	sadd.s32 $0x20, s15  }
0x2f7: {  	[hbm4b:s29+s4] =	stream.strided.scatter [tilespmem:s26], [sflag:$0x5], $0x400, s16, s4, $0x38;
	[tilespmem:$0x18100] =	vst v63  }
0x2f8: {  	s24 =	simm.s32 $0x8D00;
	s25 =	sadd.s32 $0x30, s15  }
0x2f9: {  	[hbm4b:s25+s4] =	stream.strided.scatter [tilespmem:s24], [sflag:$0x5], $0x400, s16, s4, $0x38;
	[tilespmem:$0x18100] =	vst v63  }
0x2fa: {  	s26 =	simm.s32 $0x9100;
	s29 =	sadd.s32 $0x40, s15  }
0x2fb: {  	[hbm4b:s29+s4] =	stream.strided.scatter [tilespmem:s26], [sflag:$0x5], $0x400, s16, s4, $0x38;
	[tilespmem:$0x18100] =	vst v63  }
0x2fc: {  	s28 =	sadd.s32 $0x70, s15;
	s24 =	simm.s32 $0x9500;
	s25 =	sadd.s32 $0x50, s15  }
0x2fd: {  	[hbm4b:s25+s4] =	stream.strided.scatter [tilespmem:s24], [sflag:$0x5], $0x400, s16, s4, $0x38;
	[tilespmem:$0x18100] =	vst v63  }
0x2fe: {  	s23 =	simm.s32 $0x2000;
	s26 =	simm.s32 $0x9900;
	s29 =	sadd.s32 $0x60, s15  }
0x2ff: {  	[hbm4b:s29+s4] =	stream.strided.scatter [tilespmem:s26], [sflag:$0x5], $0x400, s16, s4, $0x38;
	[tilespmem:$0x18100] =	vst v63  }
0x300: {  	s25 =	simm.s32 $0x10000;
	s24 =	sadd.s32 $0x400, s15;
	s26 =	simm.s32 $0x9D00  }
.LBB2_16:
0x301: {  	[hbm4b:s28+s4] =	stream.strided.scatter [tilespmem:s26], [sflag:$0x5], $0x400, s16, s4, $0x38;
	[tilespmem:$0x18100] =	vst v63  }
0x302: {  	s26 =	smov.u32 s23;
	s23 =	smov.u32 s25  }
0x303: {  	s29 =	sadd.s32 $0x8000, s25;
	s23 =	sshra.s32 s23, $0x2;
	s28 =	sadd.s32 $0x8100, s26  }
0x304: {  	[hbm4b:s24+s4] =	stream.strided.scatter [tilespmem:s28], [sflag:$0x5], $0x400, s16, s4, $0x38;
	[tilespmem:$0x18100] =	vst v63  }
0x305: {  	p0 =	sne.s32 s25, $0x18000;
	s25 =	sadd.s32 $0x8500, s26;
	s28 =	sadd.s32 $0x10, s24  }
0x306: {  	[hbm4b:s28+s4] =	stream.strided.scatter [tilespmem:s25], [sflag:$0x5], $0x400, s16, s4, $0x38;
	[tilespmem:$0x18100] =	vst v63  }
0x307: {  	s25 =	sadd.s32 $0x8900, s26;
	s28 =	sadd.s32 $0x20, s24  }
0x308: {  	[hbm4b:s28+s4] =	stream.strided.scatter [tilespmem:s25], [sflag:$0x5], $0x400, s16, s4, $0x38;
	[tilespmem:$0x18100] =	vst v63  }
0x309: {  	s25 =	sadd.s32 $0x8D00, s26;
	s28 =	sadd.s32 $0x30, s24  }
0x30a: {  	[hbm4b:s28+s4] =	stream.strided.scatter [tilespmem:s25], [sflag:$0x5], $0x400, s16, s4, $0x38;
	[tilespmem:$0x18100] =	vst v63  }
0x30b: {  	s25 =	sadd.s32 $0x9100, s26;
	s28 =	sadd.s32 $0x40, s24  }
0x30c: {  	[hbm4b:s28+s4] =	stream.strided.scatter [tilespmem:s25], [sflag:$0x5], $0x400, s16, s4, $0x38;
	[tilespmem:$0x18100] =	vst v63  }
.Ltmp7:
0x30d: {  	s25 =	sadd.s32 $0x9500, s26;
	s28 =	sadd.s32 $0x50, s24;
	(pc) =	sbr.rel @p0 .LBB2_16-.Ltmp7, $4  }
0x30e: {  	[hbm4b:s28+s4] =	stream.strided.scatter [tilespmem:s25], [sflag:$0x5], $0x400, s16, s4, $0x38;
	[tilespmem:$0x18100] =	vst v63  }
0x30f: {  	s25 =	sadd.s32 $0x9900, s26;
	s28 =	sadd.s32 $0x60, s24;
	s26 =	sadd.s32 $0x9D00, s26  }
0x310: {  	[hbm4b:s28+s4] =	stream.strided.scatter [tilespmem:s25], [sflag:$0x5], $0x400, s16, s4, $0x38;
	[tilespmem:$0x18100] =	vst v63  }
0x311: {  	s28 =	sadd.s32 $0x70, s24;
	s24 =	sadd.s32 $0x400, s24;
	s25 =	smov.u32 s29  }
0x312: {  	[hbm4b:s28+s4] =	stream.strided.scatter [tilespmem:s26], [sflag:$0x5], $0x400, s16, s4, $0x38;
	[tilespmem:$0x18100] =	vst v63  }
0x313: {  	s25 =	sadd.s32 $0x8100, s23  }
0x314: {  	[hbm4b:s24+s4] =	stream.strided.scatter [tilespmem:s25], [sflag:$0x5], $0x400, s16, s4, $0x38;
	[tilespmem:$0x18100] =	vst v63  }
0x315: {  	s28 =	sadd.s32 $0x8500, s23;
	s29 =	sadd.s32 $0x10, s24  }
0x316: {  	[hbm4b:s29+s4] =	stream.strided.scatter [tilespmem:s28], [sflag:$0x5], $0x400, s16, s4, $0x38;
	[tilespmem:$0x18100] =	vst v63  }
0x317: {  	s28 =	sadd.s32 $0x8900, s23;
	s29 =	sadd.s32 $0x20, s24  }
0x318: {  	[hbm4b:s29+s4] =	stream.strided.scatter [tilespmem:s28], [sflag:$0x5], $0x400, s16, s4, $0x38;
	[tilespmem:$0x18100] =	vst v63  }
0x319: {  	s28 =	sadd.s32 $0x8D00, s23;
	s29 =	sadd.s32 $0x30, s24  }
0x31a: {  	[hbm4b:s29+s4] =	stream.strided.scatter [tilespmem:s28], [sflag:$0x5], $0x400, s16, s4, $0x38;
	[tilespmem:$0x18100] =	vst v63  }
0x31b: {  	s28 =	sadd.s32 $0x9100, s23;
	s29 =	sadd.s32 $0x40, s24  }
0x31c: {  	[hbm4b:s29+s4] =	stream.strided.scatter [tilespmem:s28], [sflag:$0x5], $0x400, s16, s4, $0x38;
	[tilespmem:$0x18100] =	vst v63  }
0x31d: {  	s28 =	sadd.s32 $0x9500, s23;
	s29 =	sadd.s32 $0x50, s24  }
0x31e: {  	[hbm4b:s29+s4] =	stream.strided.scatter [tilespmem:s28], [sflag:$0x5], $0x400, s16, s4, $0x38;
	[tilespmem:$0x18100] =	vst v63  }
0x31f: {  	s28 =	sadd.s32 $0x9900, s23;
	s29 =	sadd.s32 $0x60, s24  }
0x320: {  	[hbm4b:s29+s4] =	stream.strided.scatter [tilespmem:s28], [sflag:$0x5], $0x400, s16, s4, $0x38;
	[tilespmem:$0x18100] =	vst v63  }
0x321: {  	s26 =	sadd.s32 $0x9D00, s23;
	s28 =	sadd.s32 $0x70, s24  }
0x322: {  	[hbm4b:s28+s4] =	stream.strided.scatter [tilespmem:s26], [sflag:$0x5], $0x400, s16, s4, $0x38;
	[tilespmem:$0x18100] =	vst v63  }
0x323: {  	_ =	swait.ge [sflag:s21], $0x8000  }
0x324: {  	[sflag:s21] =	ssyncset.done $0x0  }
0x325: {  	[sflag:s21] =	ssyncadd.s32 $0xFFFF8000  }
0x326: {  	_ =	swait.ge [sflag:s18], $0x8000  }
0x327: {  	[sflag:s18] =	ssyncset.done $0x0  }
0x328: {  	[sflag:s18] =	ssyncadd.s32 $0xFFFF8000  }
0x329: {  	_ =	swait.ge [sflag:s20], $0x8000  }
0x32a: {  	s22 =	sadd.s32 $0x1, s22;
	s29 =	rddreg [dreg:$0x5]  }
0x32b: {  	p0 =	sne.s32 s22, s29  }
.Ltmp8:
0x32c: {  	_ = 	snop;
	(pc) =	sbr.rel @p0 .LBB2_1-.Ltmp8, $3  }
0x32d: {  	_ =	sdelay $0x1  }
0x32e: {  	[sflag:s20] =	ssyncset.done $0x0  }
0x32f: {  	[sflag:s20] =	ssyncadd.s32 $0xFFFF8000  }
0x330: {  	_ =	sfence.sel $0x180000  }
0x331: {  	[bflag:$0x0] =	sbarrier.arrive $0xFFFF  }
0x332: {  	_ =	strace $0x90000047  }
0x333: {  	s0 =	stileid.u32;
	[bflag:$0x2] =	sbarrier.arrive $0xFFFF  }
0x334: {  	p0 =	sne.s32 s0, $0x0;
	s0 =	rddreg [dreg:$0x3]  }
0x335: {  	s0 =	sadd.s32 @!p0 $0x100000, s0  }
0x336: {  	[sflag:s0] =	ssyncadd.tile.s32 @!p0 $0x1;
	_ =	shalt  }
.Lfunc_end2:
_tile_overlayer_lowered:
.L_overlay_start_2:
0x337: {  	(tag) =	ssettag $0x2  }
0x338: {  	s0 =	rddreg [dreg:$0x0];
	s2 =	stileid.u32  }
0x339: {  	s1 =	rddreg [dreg:$0x1];
	p0 =	sne.s32 s2, $0x0  }
0x33a: {  	s3 =	rddreg [dreg:$0x2];
	[bflag:$0x3] =	sbarrier.arrive $0xFFFF;
	s2 =	simm.s32 @!p0 $0x1C07  }
0x33b: {  	[timem:s3], [sflag:s2] =	dma.local @!p0 [hbm:s0], s1  }
0x33c: {  	s0 =	simm.s32 @!p0 $0x7  }
0x33d: {  	_ =	swait.ge @!p0 [sflag:s0], s1  }
0x33e: {  	s1 =	ssub.s32 @!p0 $0x0, s1;
	[sflag:s0] =	ssyncset.done @!p0 $0x0  }
0x33f: {  	[sflag:s0] =	ssyncadd.s32 @!p0 s1  }
0x340: {  	[bflag:$0x3] =	sbarrier.arrive $0xFFFF  }
0x341: {  	_ =	shalt  }

</sc_bundles>
